<compile_context>
chip_gen: v7x
topology: tpu7x:2x2x1
jax: 0.10.2.dev20260603
libtpu: 0.0.44.dev20260713+nightly
codegen_flags: <defaults>
</compile_context>

<pallas_src>
import functools

import jax
import jax.numpy as jnp
from jax import lax
from jax.experimental import pallas as pl
from jax.experimental.pallas import tpu as pltpu
from jax.experimental.pallas import tpu_sc as plsc

_N = 10000
_E = 320000
_D_IN = 128
_H = 256
_OUT = 64
_G = 64

_NC = 2
_NS = 16
_NPAD = 10240
_RPT = _NPAD // _NS
_CH = 64
_KG = 32
_D = 4
_W = 128
_K = 320
_K1 = 160
_EPAD = _NS * _K * _CH
_EROWS = _EPAD // _CH
_EPAD1 = _NS * _K1 * _CH
_EROWS1 = _EPAD1 // _CH
_BN = 1000
_NB = _N // _BN


def _agg_kernel_body(kk, dual_dst, h2, src2, dst2, out, sidx, didx, rb0, rb1,
                     rb2, rb3, acc, sem_g, sem_s):
    c = lax.axis_index("c")
    s = lax.axis_index("s")
    r0 = s * _RPT
    pltpu.sync_copy(h2.at[pl.ds(c * _NPAD + r0, _RPT)],
                    acc.at[pl.ds(r0, _RPT)])
    rr = kk * _NS
    base = c * rr + s * kk
    basd = base
    plsc.subcore_barrier()

    bufs = (rb0, rb1, rb2, rb3)

    def group(g, carry):
        pltpu.sync_copy(src2.at[pl.ds(base + g * _KG, _KG)], sidx)
        pltpu.sync_copy(dst2.at[pl.ds(basd + g * _KG, _KG)], didx)

        def quad(q, cc):
            j = _D * q
            gd = [pltpu.async_copy(h2.at[sidx.at[j + i]], bufs[i], sem_g)
                  for i in range(_D)]
            sd = []
            for i in range(_D):
                gd[i].wait()
                sd.append(pltpu.async_copy(bufs[i], acc.at[didx.at[j + i]],
                                           sem_s, add=True))
            for d in sd:
                d.wait()
            return cc

        lax.fori_loop(0, _KG // _D, quad, 0)
        return carry

    lax.fori_loop(0, kk // _KG, group, 0)
    plsc.subcore_barrier()
    pltpu.sync_copy(acc.at[pl.ds(r0, _RPT)],
                    out.at[pl.ds(c * _NPAD + r0, _RPT)])


@functools.lru_cache(maxsize=None)
def _make_agg(kk, dual_dst):
    mesh = plsc.VectorSubcoreMesh(core_axis_name="c", subcore_axis_name="s")
    return pl.kernel(
        functools.partial(_agg_kernel_body, kk, dual_dst),
        out_type=jax.ShapeDtypeStruct((2 * _NPAD, _W), jnp.float32),
        mesh=mesh,
        scratch_types=[
            pltpu.VMEM((_KG, _CH), jnp.int32),
            pltpu.VMEM((_KG, _CH), jnp.int32),
        ] + [pltpu.VMEM((_CH, _W), jnp.float32)] * _D
        + [
            pltpu.VMEM_SHARED((_NPAD, _W), jnp.float32),
            pltpu.SemaphoreType.DMA,
            pltpu.SemaphoreType.DMA,
        ],
        name=f"gin_agg_k{kk}",
    )


def _dense1_body(z_ref, w_ref, b_ref, y_ref, st_ref, s1_ref, s2_ref):
    i = pl.program_id(0)
    y = (jnp.dot(z_ref[0], w_ref[0], preferred_element_type=jnp.float32)
         + jnp.dot(z_ref[1], w_ref[1], preferred_element_type=jnp.float32)
         + b_ref[...])
    y_ref[...] = y

    @pl.when(i == 0)
    def _init():
        s1_ref[...] = jnp.zeros_like(s1_ref)
        s2_ref[...] = jnp.zeros_like(s2_ref)

    s1_ref[...] += jnp.sum(y, axis=0, keepdims=True)
    s2_ref[...] += jnp.sum(y * y, axis=0, keepdims=True)

    @pl.when(i == _NB - 1)
    def _fin():
        st_ref[...] = jnp.concatenate([s1_ref[...], s2_ref[...]], axis=0)


def _dense1(z3, w1r, b1):
    return pl.pallas_call(
        _dense1_body,
        grid=(_NB,),
        in_specs=[
            pl.BlockSpec((2, _BN, _W), lambda i: (0, i, 0)),
            pl.BlockSpec(w1r.shape, lambda i: (0, 0, 0)),
            pl.BlockSpec((1, _H), lambda i: (0, 0)),
        ],
        out_specs=[
            pl.BlockSpec((_BN, _H), lambda i: (i, 0)),
            pl.BlockSpec((2, _H), lambda i: (0, 0)),
        ],
        out_shape=[
            jax.ShapeDtypeStruct((_N, _H), jnp.float32),
            jax.ShapeDtypeStruct((2, _H), jnp.float32),
        ],
        scratch_shapes=[
            pltpu.VMEM((1, _H), jnp.float32),
            pltpu.VMEM((1, _H), jnp.float32),
        ],
    )(z3, w1r, b1)


def _dense2_body(y_ref, st_ref, g_ref, bt_ref, w2_ref, b2_ref, out_ref):
    y = y_ref[...]
    s1 = st_ref[0:1, :]
    s2 = st_ref[1:2, :]
    mean = s1 / _N
    var = s2 / _N - mean * mean
    inv = lax.rsqrt(var + 1e-5)
    r = jnp.maximum((y - mean) * inv * g_ref[...] + bt_ref[...], 0.0)
    h = jnp.dot(r, w2_ref[...], preferred_element_type=jnp.float32) + b2_ref[...]
    h = jnp.maximum(h, 0.0)
    out_ref[0] = h[:, :_H // 2]
    out_ref[1] = h[:, _H // 2:]


def _dense2(y, st, gamma, beta, w2, b2):
    return pl.pallas_call(
        _dense2_body,
        grid=(_NB,),
        in_specs=[
            pl.BlockSpec((_BN, _H), lambda i: (i, 0)),
            pl.BlockSpec((2, _H), lambda i: (0, 0)),
            pl.BlockSpec((1, _H), lambda i: (0, 0)),
            pl.BlockSpec((1, _H), lambda i: (0, 0)),
            pl.BlockSpec((_H, _H), lambda i: (0, 0)),
            pl.BlockSpec((1, _H), lambda i: (0, 0)),
        ],
        out_specs=pl.BlockSpec((2, _BN, _H // 2), lambda i: (0, i, 0)),
        out_shape=jax.ShapeDtypeStruct((2, _NPAD, _H // 2), jnp.float32),
    )(y, st, gamma, beta, w2, b2)


def _pool_body(h_ref, b_ref, w1_ref, b1_ref, w2_ref, b2_ref, out_ref, acc_ref):
    i = pl.program_id(0)

    @pl.when(i == 0)
    def _init():
        acc_ref[...] = jnp.zeros_like(acc_ref)

    bb = b_ref[0]
    oh = (lax.broadcasted_iota(jnp.int32, (_G, _BN), 0) == bb).astype(jnp.float32)
    hb = jnp.concatenate([h_ref[0], h_ref[1]], axis=1)
    acc_ref[...] += jnp.dot(oh, hb, preferred_element_type=jnp.float32)

    @pl.when(i == _NB - 1)
    def _fin():
        t = jnp.dot(acc_ref[...], w1_ref[...],
                    preferred_element_type=jnp.float32) + b1_ref[...]
        t = jnp.maximum(t, 0.0)
        out_ref[...] = jnp.dot(t, w2_ref[...],
                               preferred_element_type=jnp.float32) + b2_ref[...]


def _pool(h3, batch3, wf1, bf1, wf2, bf2):
    return pl.pallas_call(
        _pool_body,
        grid=(_NB,),
        in_specs=[
            pl.BlockSpec((2, _BN, _H // 2), lambda i: (0, i, 0)),
            pl.BlockSpec((1, 1, _BN), lambda i: (i, 0, 0)),
            pl.BlockSpec((_H, _H), lambda i: (0, 0)),
            pl.BlockSpec((1, _H), lambda i: (0, 0)),
            pl.BlockSpec((_H, _OUT), lambda i: (0, 0)),
            pl.BlockSpec((1, _OUT), lambda i: (0, 0)),
        ],
        out_specs=pl.BlockSpec((_G, _OUT), lambda i: (0, 0)),
        out_shape=jax.ShapeDtypeStruct((_G, _OUT), jnp.float32),
        scratch_shapes=[pltpu.VMEM((_G, _H), jnp.float32)],
    )(h3, batch3, wf1, bf1, wf2, bf2)


def kernel(x, edge_index, batch, layers, mlp_params):
    src = edge_index[0]
    dst = edge_index[1]
    pad = _EPAD - _E
    srcp = jnp.concatenate([src, jnp.zeros((pad,), jnp.int32)])
    dstp = jnp.concatenate([dst, jnp.full((pad,), _N, jnp.int32)])
    srcA = jnp.concatenate([srcp, srcp + _NPAD]).reshape(2 * _EROWS, _CH)
    dstA = jnp.concatenate([dstp, dstp]).reshape(2 * _EROWS, _CH)
    half = _E // 2
    pad1 = _EPAD1 - half
    z1p = jnp.zeros((pad1,), jnp.int32)
    j1p = jnp.full((pad1,), _N, jnp.int32)
    srcB = jnp.concatenate([src[:half], z1p, src[half:], z1p]
                           ).reshape(2 * _EROWS1, _CH)
    dstB = jnp.concatenate([dst[:half], j1p, dst[half:], j1p]
                           ).reshape(2 * _EROWS1, _CH)

    xp = jnp.concatenate([x, jnp.zeros((_NPAD - _N, _D_IN), jnp.float32)])
    h2 = jnp.concatenate([xp, jnp.zeros((_NPAD, _D_IN), jnp.float32)])

    for li, (w1, b1, gamma, beta, w2, b2) in enumerate(layers):
        if li == 0:
            z2 = _make_agg(_K1, True)(h2, srcB, dstB)
            w1r = jnp.stack([w1, w1])
        else:
            z2 = _make_agg(_K, True)(h2, srcA, dstA)
            w1r = w1.reshape(2, _W, _H)
        z3 = z2.reshape(2, _NPAD, _W)
        y, st = _dense1(z3, w1r, b1.reshape(1, _H))
        h3 = _dense2(y, st, gamma.reshape(1, _H), beta.reshape(1, _H),
                     w2, b2.reshape(1, _H))
        h2 = h3.reshape(2 * _NPAD, _H // 2)

    wf1, bf1, wf2, bf2 = mlp_params
    batch3 = batch.reshape(_NB, 1, _BN)
    return _pool(h2.reshape(2, _NPAD, _H // 2), batch3,
                 wf1, bf1.reshape(1, _H), wf2, bf2.reshape(1, _OUT))

# --- scband reference (transcript-rebuilt; emitter-appended) ---
"""Pipeline reference for scband-gin-22385369547127 (READ-ONLY COPY).

The authoritative reference and input builder live on the scoring server;
editing this copy changes nothing except your own understanding.
"""

import jax, jax.numpy as jnp
import numpy as np

N = 10000
E = 320000
D_IN = 128
H = 256
OUT = 64
G = 64
NUM_LAYERS = 3


def setup_inputs(seed: int = 0):
    key = jax.random.key(seed)
    ks = jax.random.split(key, 32)
    x = jax.random.normal(ks[0], (N, D_IN), dtype=jnp.float32)
    edge_index = jax.random.randint(ks[1], (2, E), 0, N, dtype=jnp.int32)
    batch = jnp.sort(jax.random.randint(ks[2], (N,), 0, G, dtype=jnp.int32))
    layers = []
    d_in = D_IN
    for l in range(NUM_LAYERS):
        k1, k2 = jax.random.split(ks[3 + l], 2)
        W1 = jax.random.normal(k1, (d_in, H), dtype=jnp.float32) / np.sqrt(d_in)
        b1 = jnp.zeros((H,), dtype=jnp.float32)
        gamma = jnp.ones((H,), dtype=jnp.float32)
        beta = jnp.zeros((H,), dtype=jnp.float32)
        W2 = jax.random.normal(k2, (H, H), dtype=jnp.float32) / np.sqrt(H)
        b2 = jnp.zeros((H,), dtype=jnp.float32)
        layers.append((W1, b1, gamma, beta, W2, b2))
        d_in = H
    kf1, kf2 = jax.random.split(ks[10], 2)
    Wf1 = jax.random.normal(kf1, (H, H), dtype=jnp.float32) / np.sqrt(H)
    bf1 = jnp.zeros((H,), dtype=jnp.float32)
    Wf2 = jax.random.normal(kf2, (H, OUT), dtype=jnp.float32) / np.sqrt(H)
    bf2 = jnp.zeros((OUT,), dtype=jnp.float32)
    return {"x": x, "edge_index": edge_index, "batch": batch, "layers": layers, "mlp_params": (Wf1, bf1, Wf2, bf2)}


def _batch_norm(h, gamma, beta, eps=1e-5):
    mean = jnp.mean(h, axis=0, keepdims=True)
    var = jnp.var(h, axis=0, keepdims=True)
    return (h - mean) / jnp.sqrt(var + eps) * gamma + beta


def _forward(x, edge_index, batch, layers, mlp_params):
    # GINConv (train_eps=False, eps=0): mlp((1+eps)*x + sum_{j in N(i)} x_j)
    src = edge_index[0]
    dst = edge_index[1]
    h = x
    for (W1, b1, gamma, beta, W2, b2) in layers:
        agg = jax.ops.segment_sum(h[src], dst, num_segments=N)
        z = h + agg
        # pyg_nn.MLP([d_in, H, H]): lin -> batch_norm -> relu -> lin
        z = z @ W1 + b1
        z = _batch_norm(z, gamma, beta)
        z = jax.nn.relu(z)
        z = z @ W2 + b2
        # outer .relu() from GIN.forward
        h = jax.nn.relu(z)
    # global_add_pool
    pooled = jax.ops.segment_sum(h, batch, num_segments=G)
    # final MLP([H, H, OUT], norm=None): lin -> relu -> lin (dropout=0.0)
    Wf1, bf1, Wf2, bf2 = mlp_params
    out = jax.nn.relu(pooled @ Wf1 + bf1)
    out = out @ Wf2 + bf2
    return out


def reference(x, edge_index, batch, layers, mlp_params):
    return _forward(x, edge_index, batch, layers, mlp_params)

if __name__ == "__main__":
    import jax
    _d = setup_inputs()
    print(jax.jit(kernel)(*tuple(_d.values())))

</pallas_src>

<mosaic_0001>
#map = affine_map<(d0, d1) -> (0, 0)>
module attributes {stable_mosaic.version = 14 : i64} {
  func.func @gin_agg_k320(%arg0: i32, %arg1: i32, %arg2: memref<20480x128xf32, #tpu.memory_space<hbm>>, %arg3: memref<10240x64xi32, #tpu.memory_space<hbm>>, %arg4: memref<10240x64xi32, #tpu.memory_space<hbm>>, %arg5: memref<20480x128xf32, #tpu.memory_space<hbm>>, %arg6: memref<32x64xi32, #tpu.memory_space<vmem>>, %arg7: memref<32x64xi32, #tpu.memory_space<vmem>>, %arg8: memref<64x128xf32, #tpu.memory_space<vmem>>, %arg9: memref<64x128xf32, #tpu.memory_space<vmem>>, %arg10: memref<64x128xf32, #tpu.memory_space<vmem>>, %arg11: memref<64x128xf32, #tpu.memory_space<vmem>>, %arg12: memref<10240x128xf32, #tpu.memory_space<vmem_shared>>, %arg13: memref<!tpu.dma_semaphore, #tpu.memory_space<semaphore_mem>>, %arg14: memref<!tpu.dma_semaphore, #tpu.memory_space<semaphore_mem>>) attributes {dimension_semantics = [#tpu.dimension_semantics<core_parallel>, #tpu.dimension_semantics<subcore_parallel>], iteration_bounds = array<i64: 2, 16>, scalar_prefetch = 0 : i64, scratch_operands = 9 : i64, tpu.core_type = #tpu.core_type<sc_vector_subcore>, window_params = [{transform_indices = #map}, {transform_indices = #map}, {transform_indices = #map}, {transform_indices = #map}]} {
    %mul3A = arith.constant 640 : i32
    %mul3A_0 = arith.muli %arg1, %mul3A : i32
    %mul3A_1 = arith.constant 10240 : i32
    %mul3A_2 = arith.muli %arg0, %mul3A_1 : i32
    %add3A = arith.addi %mul3A_2, %mul3A_0 : i32
    "tpu.region"() ({
      %run_scoped3A = tpu.sem_alloc : memref<!tpu.dma_semaphore, #tpu.memory_space<semaphore_mem>>
      %dma_start3A = arith.constant 0 : i32
      %dma_start3A_17 = tpu.memref_slice %arg12[%mul3A_0, %dma_start3A] : memref<10240x128xf32, #tpu.memory_space<vmem_shared>> -> memref<640x128xf32, #tpu.memory_space<vmem_shared>>
      %dma_start3A_18 = arith.constant 0 : i32
      %dma_start3A_19 = tpu.memref_slice %arg2[%add3A, %dma_start3A_18] : memref<20480x128xf32, #tpu.memory_space<hbm>> -> memref<640x128xf32, #tpu.memory_space<hbm>>
      tpu.enqueue_dma source(%dma_start3A_19 : memref<640x128xf32, #tpu.memory_space<hbm>>) target(%dma_start3A_17 : memref<640x128xf32, #tpu.memory_space<vmem_shared>>) target_semaphore(%run_scoped3A : memref<!tpu.dma_semaphore, #tpu.memory_space<semaphore_mem>>)
      %dma_wait3A = arith.constant 0 : i32
      %dma_wait3A_20 = tpu.memref_slice %arg12[%mul3A_0, %dma_wait3A] : memref<10240x128xf32, #tpu.memory_space<vmem_shared>> -> memref<640x128xf32, #tpu.memory_space<vmem_shared>>
      %dma_wait3A_21 = arith.constant 0 : i32
      %dma_wait3A_22 = tpu.memref_slice %arg2[%add3A, %dma_wait3A_21] : memref<20480x128xf32, #tpu.memory_space<hbm>> -> memref<640x128xf32, #tpu.memory_space<hbm>>
      tpu.wait_dma2 semaphore(%run_scoped3A : memref<!tpu.dma_semaphore, #tpu.memory_space<semaphore_mem>>) src(%dma_wait3A_22 : memref<640x128xf32, #tpu.memory_space<hbm>>) dst(%dma_wait3A_20 : memref<640x128xf32, #tpu.memory_space<vmem_shared>>)
      tpu.yield
    }) : () -> ()
    %mul3A_3 = arith.constant 5120 : i32
    %mul3A_4 = arith.muli %arg0, %mul3A_3 : i32
    %mul3A_5 = arith.constant 320 : i32
    %mul3A_6 = arith.muli %arg1, %mul3A_5 : i32
    %add3A_7 = arith.addi %mul3A_4, %mul3A_6 : i32
    %barrier3A = arith.constant 0 : index
    tpu.barrier barrier_id(%barrier3A)
    %scan3A = arith.constant 0 : i32
    %scan3A_8 = arith.constant 0 : i32
    %scan3A_9 = arith.constant 10 : i32
    %scan3A_10 = arith.addi %scan3A_8, %scan3A_9 : i32
    %scan3A_11 = arith.constant 1 : i32
    scf.for %scan3A_17 = %scan3A_8 to %scan3A_10 step %scan3A_11  : i32 {
      %mul3A_18 = arith.constant 32 : i32
      %mul3A_19 = arith.muli %scan3A_17, %mul3A_18 : i32
      %add3A_20 = arith.addi %add3A_7, %mul3A_19 : i32
      "tpu.region"() ({
        %run_scoped3A = tpu.sem_alloc : memref<!tpu.dma_semaphore, #tpu.memory_space<semaphore_mem>>
        %dma_start3A = arith.constant 0 : i32
        %dma_start3A_30 = tpu.memref_slice %arg3[%add3A_20, %dma_start3A] : memref<10240x64xi32, #tpu.memory_space<hbm>> -> memref<32x64xi32, #tpu.memory_space<hbm>>
        %dma_start3A_31 = arith.constant 0 : i32
        %dma_start3A_32 = tpu.memref_slice %arg3[%add3A_20, %dma_start3A_31] : memref<10240x64xi32, #tpu.memory_space<hbm>> -> memref<32x64xi32, #tpu.memory_space<hbm>>
        tpu.enqueue_dma source(%dma_start3A_32 : memref<32x64xi32, #tpu.memory_space<hbm>>) target(%arg6 : memref<32x64xi32, #tpu.memory_space<vmem>>) target_semaphore(%run_scoped3A : memref<!tpu.dma_semaphore, #tpu.memory_space<semaphore_mem>>)
        %dma_wait3A = arith.constant 0 : i32
        %dma_wait3A_33 = tpu.memref_slice %arg3[%add3A_20, %dma_wait3A] : memref<10240x64xi32, #tpu.memory_space<hbm>> -> memref<32x64xi32, #tpu.memory_space<hbm>>
        %dma_wait3A_34 = arith.constant 0 : i32
        %dma_wait3A_35 = tpu.memref_slice %arg3[%add3A_20, %dma_wait3A_34] : memref<10240x64xi32, #tpu.memory_space<hbm>> -> memref<32x64xi32, #tpu.memory_space<hbm>>
        tpu.wait_dma2 semaphore(%run_scoped3A : memref<!tpu.dma_semaphore, #tpu.memory_space<semaphore_mem>>) src(%dma_wait3A_35 : memref<32x64xi32, #tpu.memory_space<hbm>>) dst(%arg6 : memref<32x64xi32, #tpu.memory_space<vmem>>)
        tpu.yield
      }) : () -> ()
      %mul3A_21 = arith.constant 32 : i32
      %mul3A_22 = arith.muli %scan3A_17, %mul3A_21 : i32
      %add3A_23 = arith.addi %add3A_7, %mul3A_22 : i32
      "tpu.region"() ({
        %run_scoped3A = tpu.sem_alloc : memref<!tpu.dma_semaphore, #tpu.memory_space<semaphore_mem>>
        %dma_start3A = arith.constant 0 : i32
        %dma_start3A_30 = tpu.memref_slice %arg4[%add3A_23, %dma_start3A] : memref<10240x64xi32, #tpu.memory_space<hbm>> -> memref<32x64xi32, #tpu.memory_space<hbm>>
        %dma_start3A_31 = arith.constant 0 : i32
        %dma_start3A_32 = tpu.memref_slice %arg4[%add3A_23, %dma_start3A_31] : memref<10240x64xi32, #tpu.memory_space<hbm>> -> memref<32x64xi32, #tpu.memory_space<hbm>>
        tpu.enqueue_dma source(%dma_start3A_32 : memref<32x64xi32, #tpu.memory_space<hbm>>) target(%arg7 : memref<32x64xi32, #tpu.memory_space<vmem>>) target_semaphore(%run_scoped3A : memref<!tpu.dma_semaphore, #tpu.memory_space<semaphore_mem>>)
        %dma_wait3A = arith.constant 0 : i32
        %dma_wait3A_33 = tpu.memref_slice %arg4[%add3A_23, %dma_wait3A] : memref<10240x64xi32, #tpu.memory_space<hbm>> -> memref<32x64xi32, #tpu.memory_space<hbm>>
        %dma_wait3A_34 = arith.constant 0 : i32
        %dma_wait3A_35 = tpu.memref_slice %arg4[%add3A_23, %dma_wait3A_34] : memref<10240x64xi32, #tpu.memory_space<hbm>> -> memref<32x64xi32, #tpu.memory_space<hbm>>
        tpu.wait_dma2 semaphore(%run_scoped3A : memref<!tpu.dma_semaphore, #tpu.memory_space<semaphore_mem>>) src(%dma_wait3A_35 : memref<32x64xi32, #tpu.memory_space<hbm>>) dst(%arg7 : memref<32x64xi32, #tpu.memory_space<vmem>>)
        tpu.yield
      }) : () -> ()
      %scan3A_24 = arith.constant 0 : i32
      %scan3A_25 = arith.constant 0 : i32
      %scan3A_26 = arith.constant 8 : i32
      %scan3A_27 = arith.addi %scan3A_25, %scan3A_26 : i32
      %scan3A_28 = arith.constant 1 : i32
      scf.for %scan3A_30 = %scan3A_25 to %scan3A_27 step %scan3A_28  : i32 {
        %mul3A_31 = arith.constant 4 : i32
        %mul3A_32 = arith.muli %mul3A_31, %scan3A_30 : i32
        %add3A_33 = arith.constant 0 : i32
        %add3A_34 = arith.addi %mul3A_32, %add3A_33 : i32
        %dma_start3A = arith.constant 0 : i32
        %dma_start3A_35 = tpu.memref_slice %arg6[%add3A_34, %dma_start3A] : memref<32x64xi32, #tpu.memory_space<vmem>> -> memref<1x64xi32, #tpu.memory_space<vmem>>
        %dma_start3A_36 = tpu.memref_squeeze %dma_start3A_35 : memref<1x64xi32, #tpu.memory_space<vmem>> -> memref<64xi32, #tpu.memory_space<vmem>>
        %dma_start3A_37 = arith.constant 0 : i32
        %dma_start3A_38 = arith.constant 0 : i32
        %dma_start3A_39 = tpu.memref_slice %arg2[%dma_start3A_37, %dma_start3A_38] : memref<20480x128xf32, #tpu.memory_space<hbm>> -> memref<20480x128xf32, #tpu.memory_space<hbm>>
        tpu.enqueue_indirect_dma source(%dma_start3A_39 : memref<20480x128xf32, #tpu.memory_space<hbm>>) target(%arg8 : memref<64x128xf32, #tpu.memory_space<vmem>>) offsets(%dma_start3A_36 : memref<64xi32, #tpu.memory_space<vmem>>) semaphore(%arg13 : memref<!tpu.dma_semaphore, #tpu.memory_space<semaphore_mem>>)
        %add3A_40 = arith.constant 1 : i32
        %add3A_41 = arith.addi %mul3A_32, %add3A_40 : i32
        %dma_start3A_42 = arith.constant 0 : i32
        %dma_start3A_43 = tpu.memref_slice %arg6[%add3A_41, %dma_start3A_42] : memref<32x64xi32, #tpu.memory_space<vmem>> -> memref<1x64xi32, #tpu.memory_space<vmem>>
        %dma_start3A_44 = tpu.memref_squeeze %dma_start3A_43 : memref<1x64xi32, #tpu.memory_space<vmem>> -> memref<64xi32, #tpu.memory_space<vmem>>
        %dma_start3A_45 = arith.constant 0 : i32
        %dma_start3A_46 = arith.constant 0 : i32
        %dma_start3A_47 = tpu.memref_slice %arg2[%dma_start3A_45, %dma_start3A_46] : memref<20480x128xf32, #tpu.memory_space<hbm>> -> memref<20480x128xf32, #tpu.memory_space<hbm>>
        tpu.enqueue_indirect_dma source(%dma_start3A_47 : memref<20480x128xf32, #tpu.memory_space<hbm>>) target(%arg9 : memref<64x128xf32, #tpu.memory_space<vmem>>) offsets(%dma_start3A_44 : memref<64xi32, #tpu.memory_space<vmem>>) semaphore(%arg13 : memref<!tpu.dma_semaphore, #tpu.memory_space<semaphore_mem>>)
        %add3A_48 = arith.constant 2 : i32
        %add3A_49 = arith.addi %mul3A_32, %add3A_48 : i32
        %dma_start3A_50 = arith.constant 0 : i32
        %dma_start3A_51 = tpu.memref_slice %arg6[%add3A_49, %dma_start3A_50] : memref<32x64xi32, #tpu.memory_space<vmem>> -> memref<1x64xi32, #tpu.memory_space<vmem>>
        %dma_start3A_52 = tpu.memref_squeeze %dma_start3A_51 : memref<1x64xi32, #tpu.memory_space<vmem>> -> memref<64xi32, #tpu.memory_space<vmem>>
        %dma_start3A_53 = arith.constant 0 : i32
        %dma_start3A_54 = arith.constant 0 : i32
        %dma_start3A_55 = tpu.memref_slice %arg2[%dma_start3A_53, %dma_start3A_54] : memref<20480x128xf32, #tpu.memory_space<hbm>> -> memref<20480x128xf32, #tpu.memory_space<hbm>>
        tpu.enqueue_indirect_dma source(%dma_start3A_55 : memref<20480x128xf32, #tpu.memory_space<hbm>>) target(%arg10 : memref<64x128xf32, #tpu.memory_space<vmem>>) offsets(%dma_start3A_52 : memref<64xi32, #tpu.memory_space<vmem>>) semaphore(%arg13 : memref<!tpu.dma_semaphore, #tpu.memory_space<semaphore_mem>>)
        %add3A_56 = arith.constant 3 : i32
        %add3A_57 = arith.addi %mul3A_32, %add3A_56 : i32
        %dma_start3A_58 = arith.constant 0 : i32
        %dma_start3A_59 = tpu.memref_slice %arg6[%add3A_57, %dma_start3A_58] : memref<32x64xi32, #tpu.memory_space<vmem>> -> memref<1x64xi32, #tpu.memory_space<vmem>>
        %dma_start3A_60 = tpu.memref_squeeze %dma_start3A_59 : memref<1x64xi32, #tpu.memory_space<vmem>> -> memref<64xi32, #tpu.memory_space<vmem>>
        %dma_start3A_61 = arith.constant 0 : i32
        %dma_start3A_62 = arith.constant 0 : i32
        %dma_start3A_63 = tpu.memref_slice %arg2[%dma_start3A_61, %dma_start3A_62] : memref<20480x128xf32, #tpu.memory_space<hbm>> -> memref<20480x128xf32, #tpu.memory_space<hbm>>
        tpu.enqueue_indirect_dma source(%dma_start3A_63 : memref<20480x128xf32, #tpu.memory_space<hbm>>) target(%arg11 : memref<64x128xf32, #tpu.memory_space<vmem>>) offsets(%dma_start3A_60 : memref<64xi32, #tpu.memory_space<vmem>>) semaphore(%arg13 : memref<!tpu.dma_semaphore, #tpu.memory_space<semaphore_mem>>)
        %dma_wait3A = arith.constant 0 : i32
        %dma_wait3A_64 = tpu.memref_slice %arg6[%add3A_34, %dma_wait3A] : memref<32x64xi32, #tpu.memory_space<vmem>> -> memref<1x64xi32, #tpu.memory_space<vmem>>
        %dma_wait3A_65 = tpu.memref_squeeze %dma_wait3A_64 : memref<1x64xi32, #tpu.memory_space<vmem>> -> memref<64xi32, #tpu.memory_space<vmem>>
        %dma_wait3A_66 = arith.constant 0 : i32
        %dma_wait3A_67 = arith.constant 0 : i32
        %dma_wait3A_68 = tpu.memref_slice %arg2[%dma_wait3A_66, %dma_wait3A_67] : memref<20480x128xf32, #tpu.memory_space<hbm>> -> memref<20480x128xf32, #tpu.memory_space<hbm>>
        tpu.wait_indirect_dma semaphore(%arg13 : memref<!tpu.dma_semaphore, #tpu.memory_space<semaphore_mem>>) src(%dma_wait3A_68 : memref<20480x128xf32, #tpu.memory_space<hbm>>) dst(%arg8 : memref<64x128xf32, #tpu.memory_space<vmem>>)
        %add3A_69 = arith.constant 0 : i32
        %add3A_70 = arith.addi %mul3A_32, %add3A_69 : i32
        %dma_start3A_71 = arith.constant 0 : i32
        %dma_start3A_72 = tpu.memref_slice %arg7[%add3A_70, %dma_start3A_71] : memref<32x64xi32, #tpu.memory_space<vmem>> -> memref<1x64xi32, #tpu.memory_space<vmem>>
        %dma_start3A_73 = tpu.memref_squeeze %dma_start3A_72 : memref<1x64xi32, #tpu.memory_space<vmem>> -> memref<64xi32, #tpu.memory_space<vmem>>
        %dma_start3A_74 = arith.constant 0 : i32
        %dma_start3A_75 = arith.constant 0 : i32
        %dma_start3A_76 = tpu.memref_slice %arg12[%dma_start3A_74, %dma_start3A_75] : memref<10240x128xf32, #tpu.memory_space<vmem_shared>> -> memref<10240x128xf32, #tpu.memory_space<vmem_shared>>
        tpu.enqueue_indirect_dma source(%arg8 : memref<64x128xf32, #tpu.memory_space<vmem>>) target(%dma_start3A_76 : memref<10240x128xf32, #tpu.memory_space<vmem_shared>>) offsets(%dma_start3A_73 : memref<64xi32, #tpu.memory_space<vmem>>) semaphore(%arg14 : memref<!tpu.dma_semaphore, #tpu.memory_space<semaphore_mem>>) {add = true}
        %dma_wait3A_77 = arith.constant 0 : i32
        %dma_wait3A_78 = tpu.memref_slice %arg6[%add3A_41, %dma_wait3A_77] : memref<32x64xi32, #tpu.memory_space<vmem>> -> memref<1x64xi32, #tpu.memory_space<vmem>>
        %dma_wait3A_79 = tpu.memref_squeeze %dma_wait3A_78 : memref<1x64xi32, #tpu.memory_space<vmem>> -> memref<64xi32, #tpu.memory_space<vmem>>
        %dma_wait3A_80 = arith.constant 0 : i32
        %dma_wait3A_81 = arith.constant 0 : i32
        %dma_wait3A_82 = tpu.memref_slice %arg2[%dma_wait3A_80, %dma_wait3A_81] : memref<20480x128xf32, #tpu.memory_space<hbm>> -> memref<20480x128xf32, #tpu.memory_space<hbm>>
        tpu.wait_indirect_dma semaphore(%arg13 : memref<!tpu.dma_semaphore, #tpu.memory_space<semaphore_mem>>) src(%dma_wait3A_82 : memref<20480x128xf32, #tpu.memory_space<hbm>>) dst(%arg9 : memref<64x128xf32, #tpu.memory_space<vmem>>)
        %add3A_83 = arith.constant 1 : i32
        %add3A_84 = arith.addi %mul3A_32, %add3A_83 : i32
        %dma_start3A_85 = arith.constant 0 : i32
        %dma_start3A_86 = tpu.memref_slice %arg7[%add3A_84, %dma_start3A_85] : memref<32x64xi32, #tpu.memory_space<vmem>> -> memref<1x64xi32, #tpu.memory_space<vmem>>
        %dma_start3A_87 = tpu.memref_squeeze %dma_start3A_86 : memref<1x64xi32, #tpu.memory_space<vmem>> -> memref<64xi32, #tpu.memory_space<vmem>>
        %dma_start3A_88 = arith.constant 0 : i32
        %dma_start3A_89 = arith.constant 0 : i32
        %dma_start3A_90 = tpu.memref_slice %arg12[%dma_start3A_88, %dma_start3A_89] : memref<10240x128xf32, #tpu.memory_space<vmem_shared>> -> memref<10240x128xf32, #tpu.memory_space<vmem_shared>>
        tpu.enqueue_indirect_dma source(%arg9 : memref<64x128xf32, #tpu.memory_space<vmem>>) target(%dma_start3A_90 : memref<10240x128xf32, #tpu.memory_space<vmem_shared>>) offsets(%dma_start3A_87 : memref<64xi32, #tpu.memory_space<vmem>>) semaphore(%arg14 : memref<!tpu.dma_semaphore, #tpu.memory_space<semaphore_mem>>) {add = true}
        %dma_wait3A_91 = arith.constant 0 : i32
        %dma_wait3A_92 = tpu.memref_slice %arg6[%add3A_49, %dma_wait3A_91] : memref<32x64xi32, #tpu.memory_space<vmem>> -> memref<1x64xi32, #tpu.memory_space<vmem>>
        %dma_wait3A_93 = tpu.memref_squeeze %dma_wait3A_92 : memref<1x64xi32, #tpu.memory_space<vmem>> -> memref<64xi32, #tpu.memory_space<vmem>>
        %dma_wait3A_94 = arith.constant 0 : i32
        %dma_wait3A_95 = arith.constant 0 : i32
        %dma_wait3A_96 = tpu.memref_slice %arg2[%dma_wait3A_94, %dma_wait3A_95] : memref<20480x128xf32, #tpu.memory_space<hbm>> -> memref<20480x128xf32, #tpu.memory_space<hbm>>
        tpu.wait_indirect_dma semaphore(%arg13 : memref<!tpu.dma_semaphore, #tpu.memory_space<semaphore_mem>>) src(%dma_wait3A_96 : memref<20480x128xf32, #tpu.memory_space<hbm>>) dst(%arg10 : memref<64x128xf32, #tpu.memory_space<vmem>>)
        %add3A_97 = arith.constant 2 : i32
        %add3A_98 = arith.addi %mul3A_32, %add3A_97 : i32
        %dma_start3A_99 = arith.constant 0 : i32
        %dma_start3A_100 = tpu.memref_slice %arg7[%add3A_98, %dma_start3A_99] : memref<32x64xi32, #tpu.memory_space<vmem>> -> memref<1x64xi32, #tpu.memory_space<vmem>>
        %dma_start3A_101 = tpu.memref_squeeze %dma_start3A_100 : memref<1x64xi32, #tpu.memory_space<vmem>> -> memref<64xi32, #tpu.memory_space<vmem>>
        %dma_start3A_102 = arith.constant 0 : i32
        %dma_start3A_103 = arith.constant 0 : i32
        %dma_start3A_104 = tpu.memref_slice %arg12[%dma_start3A_102, %dma_start3A_103] : memref<10240x128xf32, #tpu.memory_space<vmem_shared>> -> memref<10240x128xf32, #tpu.memory_space<vmem_shared>>
        tpu.enqueue_indirect_dma source(%arg10 : memref<64x128xf32, #tpu.memory_space<vmem>>) target(%dma_start3A_104 : memref<10240x128xf32, #tpu.memory_space<vmem_shared>>) offsets(%dma_start3A_101 : memref<64xi32, #tpu.memory_space<vmem>>) semaphore(%arg14 : memref<!tpu.dma_semaphore, #tpu.memory_space<semaphore_mem>>) {add = true}
        %dma_wait3A_105 = arith.constant 0 : i32
        %dma_wait3A_106 = tpu.memref_slice %arg6[%add3A_57, %dma_wait3A_105] : memref<32x64xi32, #tpu.memory_space<vmem>> -> memref<1x64xi32, #tpu.memory_space<vmem>>
        %dma_wait3A_107 = tpu.memref_squeeze %dma_wait3A_106 : memref<1x64xi32, #tpu.memory_space<vmem>> -> memref<64xi32, #tpu.memory_space<vmem>>
        %dma_wait3A_108 = arith.constant 0 : i32
        %dma_wait3A_109 = arith.constant 0 : i32
        %dma_wait3A_110 = tpu.memref_slice %arg2[%dma_wait3A_108, %dma_wait3A_109] : memref<20480x128xf32, #tpu.memory_space<hbm>> -> memref<20480x128xf32, #tpu.memory_space<hbm>>
        tpu.wait_indirect_dma semaphore(%arg13 : memref<!tpu.dma_semaphore, #tpu.memory_space<semaphore_mem>>) src(%dma_wait3A_110 : memref<20480x128xf32, #tpu.memory_space<hbm>>) dst(%arg11 : memref<64x128xf32, #tpu.memory_space<vmem>>)
        %add3A_111 = arith.constant 3 : i32
        %add3A_112 = arith.addi %mul3A_32, %add3A_111 : i32
        %dma_start3A_113 = arith.constant 0 : i32
        %dma_start3A_114 = tpu.memref_slice %arg7[%add3A_112, %dma_start3A_113] : memref<32x64xi32, #tpu.memory_space<vmem>> -> memref<1x64xi32, #tpu.memory_space<vmem>>
        %dma_start3A_115 = tpu.memref_squeeze %dma_start3A_114 : memref<1x64xi32, #tpu.memory_space<vmem>> -> memref<64xi32, #tpu.memory_space<vmem>>
        %dma_start3A_116 = arith.constant 0 : i32
        %dma_start3A_117 = arith.constant 0 : i32
        %dma_start3A_118 = tpu.memref_slice %arg12[%dma_start3A_116, %dma_start3A_117] : memref<10240x128xf32, #tpu.memory_space<vmem_shared>> -> memref<10240x128xf32, #tpu.memory_space<vmem_shared>>
        tpu.enqueue_indirect_dma source(%arg11 : memref<64x128xf32, #tpu.memory_space<vmem>>) target(%dma_start3A_118 : memref<10240x128xf32, #tpu.memory_space<vmem_shared>>) offsets(%dma_start3A_115 : memref<64xi32, #tpu.memory_space<vmem>>) semaphore(%arg14 : memref<!tpu.dma_semaphore, #tpu.memory_space<semaphore_mem>>) {add = true}
        %dma_wait3A_119 = arith.constant 0 : i32
        %dma_wait3A_120 = tpu.memref_slice %arg7[%add3A_70, %dma_wait3A_119] : memref<32x64xi32, #tpu.memory_space<vmem>> -> memref<1x64xi32, #tpu.memory_space<vmem>>
        %dma_wait3A_121 = tpu.memref_squeeze %dma_wait3A_120 : memref<1x64xi32, #tpu.memory_space<vmem>> -> memref<64xi32, #tpu.memory_space<vmem>>
        %dma_wait3A_122 = arith.constant 0 : i32
        %dma_wait3A_123 = arith.constant 0 : i32
        %dma_wait3A_124 = tpu.memref_slice %arg12[%dma_wait3A_122, %dma_wait3A_123] : memref<10240x128xf32, #tpu.memory_space<vmem_shared>> -> memref<10240x128xf32, #tpu.memory_space<vmem_shared>>
        tpu.wait_indirect_dma semaphore(%arg14 : memref<!tpu.dma_semaphore, #tpu.memory_space<semaphore_mem>>) src(%arg8 : memref<64x128xf32, #tpu.memory_space<vmem>>) dst(%dma_wait3A_124 : memref<10240x128xf32, #tpu.memory_space<vmem_shared>>)
        %dma_wait3A_125 = arith.constant 0 : i32
        %dma_wait3A_126 = tpu.memref_slice %arg7[%add3A_84, %dma_wait3A_125] : memref<32x64xi32, #tpu.memory_space<vmem>> -> memref<1x64xi32, #tpu.memory_space<vmem>>
        %dma_wait3A_127 = tpu.memref_squeeze %dma_wait3A_126 : memref<1x64xi32, #tpu.memory_space<vmem>> -> memref<64xi32, #tpu.memory_space<vmem>>
        %dma_wait3A_128 = arith.constant 0 : i32
        %dma_wait3A_129 = arith.constant 0 : i32
        %dma_wait3A_130 = tpu.memref_slice %arg12[%dma_wait3A_128, %dma_wait3A_129] : memref<10240x128xf32, #tpu.memory_space<vmem_shared>> -> memref<10240x128xf32, #tpu.memory_space<vmem_shared>>
        tpu.wait_indirect_dma semaphore(%arg14 : memref<!tpu.dma_semaphore, #tpu.memory_space<semaphore_mem>>) src(%arg9 : memref<64x128xf32, #tpu.memory_space<vmem>>) dst(%dma_wait3A_130 : memref<10240x128xf32, #tpu.memory_space<vmem_shared>>)
        %dma_wait3A_131 = arith.constant 0 : i32
        %dma_wait3A_132 = tpu.memref_slice %arg7[%add3A_98, %dma_wait3A_131] : memref<32x64xi32, #tpu.memory_space<vmem>> -> memref<1x64xi32, #tpu.memory_space<vmem>>
        %dma_wait3A_133 = tpu.memref_squeeze %dma_wait3A_132 : memref<1x64xi32, #tpu.memory_space<vmem>> -> memref<64xi32, #tpu.memory_space<vmem>>
        %dma_wait3A_134 = arith.constant 0 : i32
        %dma_wait3A_135 = arith.constant 0 : i32
        %dma_wait3A_136 = tpu.memref_slice %arg12[%dma_wait3A_134, %dma_wait3A_135] : memref<10240x128xf32, #tpu.memory_space<vmem_shared>> -> memref<10240x128xf32, #tpu.memory_space<vmem_shared>>
        tpu.wait_indirect_dma semaphore(%arg14 : memref<!tpu.dma_semaphore, #tpu.memory_space<semaphore_mem>>) src(%arg10 : memref<64x128xf32, #tpu.memory_space<vmem>>) dst(%dma_wait3A_136 : memref<10240x128xf32, #tpu.memory_space<vmem_shared>>)
        %dma_wait3A_137 = arith.constant 0 : i32
        %dma_wait3A_138 = tpu.memref_slice %arg7[%add3A_112, %dma_wait3A_137] : memref<32x64xi32, #tpu.memory_space<vmem>> -> memref<1x64xi32, #tpu.memory_space<vmem>>
        %dma_wait3A_139 = tpu.memref_squeeze %dma_wait3A_138 : memref<1x64xi32, #tpu.memory_space<vmem>> -> memref<64xi32, #tpu.memory_space<vmem>>
        %dma_wait3A_140 = arith.constant 0 : i32
        %dma_wait3A_141 = arith.constant 0 : i32
        %dma_wait3A_142 = tpu.memref_slice %arg12[%dma_wait3A_140, %dma_wait3A_141] : memref<10240x128xf32, #tpu.memory_space<vmem_shared>> -> memref<10240x128xf32, #tpu.memory_space<vmem_shared>>
        tpu.wait_indirect_dma semaphore(%arg14 : memref<!tpu.dma_semaphore, #tpu.memory_space<semaphore_mem>>) src(%arg11 : memref<64x128xf32, #tpu.memory_space<vmem>>) dst(%dma_wait3A_142 : memref<10240x128xf32, #tpu.memory_space<vmem_shared>>)
      }
      %scan3A_29 = arith.constant 8 : i32
    }
    %scan3A_12 = arith.constant 10 : i32
    %barrier3A_13 = arith.constant 0 : index
    tpu.barrier barrier_id(%barrier3A_13)
    %mul3A_14 = arith.constant 10240 : i32
    %mul3A_15 = arith.muli %arg0, %mul3A_14 : i32
    %add3A_16 = arith.addi %mul3A_15, %mul3A_0 : i32
    "tpu.region"() ({
      %run_scoped3A = tpu.sem_alloc : memref<!tpu.dma_semaphore, #tpu.memory_space<semaphore_mem>>
      %dma_start3A = arith.constant 0 : i32
      %dma_start3A_17 = tpu.memref_slice %arg5[%add3A_16, %dma_start3A] : memref<20480x128xf32, #tpu.memory_space<hbm>> -> memref<640x128xf32, #tpu.memory_space<hbm>>
      %dma_start3A_18 = arith.constant 0 : i32
      %dma_start3A_19 = tpu.memref_slice %arg12[%mul3A_0, %dma_start3A_18] : memref<10240x128xf32, #tpu.memory_space<vmem_shared>> -> memref<640x128xf32, #tpu.memory_space<vmem_shared>>
      tpu.enqueue_dma source(%dma_start3A_19 : memref<640x128xf32, #tpu.memory_space<vmem_shared>>) target(%dma_start3A_17 : memref<640x128xf32, #tpu.memory_space<hbm>>) target_semaphore(%run_scoped3A : memref<!tpu.dma_semaphore, #tpu.memory_space<semaphore_mem>>)
      %dma_wait3A = arith.constant 0 : i32
      %dma_wait3A_20 = tpu.memref_slice %arg5[%add3A_16, %dma_wait3A] : memref<20480x128xf32, #tpu.memory_space<hbm>> -> memref<640x128xf32, #tpu.memory_space<hbm>>
      %dma_wait3A_21 = arith.constant 0 : i32
      %dma_wait3A_22 = tpu.memref_slice %arg12[%mul3A_0, %dma_wait3A_21] : memref<10240x128xf32, #tpu.memory_space<vmem_shared>> -> memref<640x128xf32, #tpu.memory_space<vmem_shared>>
      tpu.wait_dma2 semaphore(%run_scoped3A : memref<!tpu.dma_semaphore, #tpu.memory_space<semaphore_mem>>) src(%dma_wait3A_22 : memref<640x128xf32, #tpu.memory_space<vmem_shared>>) dst(%dma_wait3A_20 : memref<640x128xf32, #tpu.memory_space<hbm>>)
      tpu.yield
    }) : () -> ()
    return
  }
}

#map = affine_map<(d0, d1) -> (0, 0)>
module attributes {stable_mosaic.version = 14 : i64} {
  func.func @gin_agg_k160(%arg0: i32, %arg1: i32, %arg2: memref<20480x128xf32, #tpu.memory_space<hbm>>, %arg3: memref<5120x64xi32, #tpu.memory_space<hbm>>, %arg4: memref<5120x64xi32, #tpu.memory_space<hbm>>, %arg5: memref<20480x128xf32, #tpu.memory_space<hbm>>, %arg6: memref<32x64xi32, #tpu.memory_space<vmem>>, %arg7: memref<32x64xi32, #tpu.memory_space<vmem>>, %arg8: memref<64x128xf32, #tpu.memory_space<vmem>>, %arg9: memref<64x128xf32, #tpu.memory_space<vmem>>, %arg10: memref<64x128xf32, #tpu.memory_space<vmem>>, %arg11: memref<64x128xf32, #tpu.memory_space<vmem>>, %arg12: memref<10240x128xf32, #tpu.memory_space<vmem_shared>>, %arg13: memref<!tpu.dma_semaphore, #tpu.memory_space<semaphore_mem>>, %arg14: memref<!tpu.dma_semaphore, #tpu.memory_space<semaphore_mem>>) attributes {dimension_semantics = [#tpu.dimension_semantics<core_parallel>, #tpu.dimension_semantics<subcore_parallel>], iteration_bounds = array<i64: 2, 16>, scalar_prefetch = 0 : i64, scratch_operands = 9 : i64, tpu.core_type = #tpu.core_type<sc_vector_subcore>, window_params = [{transform_indices = #map}, {transform_indices = #map}, {transform_indices = #map}, {transform_indices = #map}]} {
    %mul3A = arith.constant 640 : i32
    %mul3A_0 = arith.muli %arg1, %mul3A : i32
    %mul3A_1 = arith.constant 10240 : i32
    %mul3A_2 = arith.muli %arg0, %mul3A_1 : i32
    %add3A = arith.addi %mul3A_2, %mul3A_0 : i32
    "tpu.region"() ({
      %run_scoped3A = tpu.sem_alloc : memref<!tpu.dma_semaphore, #tpu.memory_space<semaphore_mem>>
      %dma_start3A = arith.constant 0 : i32
      %dma_start3A_17 = tpu.memref_slice %arg12[%mul3A_0, %dma_start3A] : memref<10240x128xf32, #tpu.memory_space<vmem_shared>> -> memref<640x128xf32, #tpu.memory_space<vmem_shared>>
      %dma_start3A_18 = arith.constant 0 : i32
      %dma_start3A_19 = tpu.memref_slice %arg2[%add3A, %dma_start3A_18] : memref<20480x128xf32, #tpu.memory_space<hbm>> -> memref<640x128xf32, #tpu.memory_space<hbm>>
      tpu.enqueue_dma source(%dma_start3A_19 : memref<640x128xf32, #tpu.memory_space<hbm>>) target(%dma_start3A_17 : memref<640x128xf32, #tpu.memory_space<vmem_shared>>) target_semaphore(%run_scoped3A : memref<!tpu.dma_semaphore, #tpu.memory_space<semaphore_mem>>)
      %dma_wait3A = arith.constant 0 : i32
      %dma_wait3A_20 = tpu.memref_slice %arg12[%mul3A_0, %dma_wait3A] : memref<10240x128xf32, #tpu.memory_space<vmem_shared>> -> memref<640x128xf32, #tpu.memory_space<vmem_shared>>
      %dma_wait3A_21 = arith.constant 0 : i32
      %dma_wait3A_22 = tpu.memref_slice %arg2[%add3A, %dma_wait3A_21] : memref<20480x128xf32, #tpu.memory_space<hbm>> -> memref<640x128xf32, #tpu.memory_space<hbm>>
      tpu.wait_dma2 semaphore(%run_scoped3A : memref<!tpu.dma_semaphore, #tpu.memory_space<semaphore_mem>>) src(%dma_wait3A_22 : memref<640x128xf32, #tpu.memory_space<hbm>>) dst(%dma_wait3A_20 : memref<640x128xf32, #tpu.memory_space<vmem_shared>>)
      tpu.yield
    }) : () -> ()
    %mul3A_3 = arith.constant 2560 : i32
    %mul3A_4 = arith.muli %arg0, %mul3A_3 : i32
    %mul3A_5 = arith.constant 160 : i32
    %mul3A_6 = arith.muli %arg1, %mul3A_5 : i32
    %add3A_7 = arith.addi %mul3A_4, %mul3A_6 : i32
    %barrier3A = arith.constant 0 : index
    tpu.barrier barrier_id(%barrier3A)
    %scan3A = arith.constant 0 : i32
    %scan3A_8 = arith.constant 0 : i32
    %scan3A_9 = arith.constant 5 : i32
    %scan3A_10 = arith.addi %scan3A_8, %scan3A_9 : i32
    %scan3A_11 = arith.constant 1 : i32
    scf.for %scan3A_17 = %scan3A_8 to %scan3A_10 step %scan3A_11  : i32 {
      %mul3A_18 = arith.constant 32 : i32
      %mul3A_19 = arith.muli %scan3A_17, %mul3A_18 : i32
      %add3A_20 = arith.addi %add3A_7, %mul3A_19 : i32
      "tpu.region"() ({
        %run_scoped3A = tpu.sem_alloc : memref<!tpu.dma_semaphore, #tpu.memory_space<semaphore_mem>>
        %dma_start3A = arith.constant 0 : i32
        %dma_start3A_30 = tpu.memref_slice %arg3[%add3A_20, %dma_start3A] : memref<5120x64xi32, #tpu.memory_space<hbm>> -> memref<32x64xi32, #tpu.memory_space<hbm>>
        %dma_start3A_31 = arith.constant 0 : i32
        %dma_start3A_32 = tpu.memref_slice %arg3[%add3A_20, %dma_start3A_31] : memref<5120x64xi32, #tpu.memory_space<hbm>> -> memref<32x64xi32, #tpu.memory_space<hbm>>
        tpu.enqueue_dma source(%dma_start3A_32 : memref<32x64xi32, #tpu.memory_space<hbm>>) target(%arg6 : memref<32x64xi32, #tpu.memory_space<vmem>>) target_semaphore(%run_scoped3A : memref<!tpu.dma_semaphore, #tpu.memory_space<semaphore_mem>>)
        %dma_wait3A = arith.constant 0 : i32
        %dma_wait3A_33 = tpu.memref_slice %arg3[%add3A_20, %dma_wait3A] : memref<5120x64xi32, #tpu.memory_space<hbm>> -> memref<32x64xi32, #tpu.memory_space<hbm>>
        %dma_wait3A_34 = arith.constant 0 : i32
        %dma_wait3A_35 = tpu.memref_slice %arg3[%add3A_20, %dma_wait3A_34] : memref<5120x64xi32, #tpu.memory_space<hbm>> -> memref<32x64xi32, #tpu.memory_space<hbm>>
        tpu.wait_dma2 semaphore(%run_scoped3A : memref<!tpu.dma_semaphore, #tpu.memory_space<semaphore_mem>>) src(%dma_wait3A_35 : memref<32x64xi32, #tpu.memory_space<hbm>>) dst(%arg6 : memref<32x64xi32, #tpu.memory_space<vmem>>)
        tpu.yield
      }) : () -> ()
      %mul3A_21 = arith.constant 32 : i32
      %mul3A_22 = arith.muli %scan3A_17, %mul3A_21 : i32
      %add3A_23 = arith.addi %add3A_7, %mul3A_22 : i32
      "tpu.region"() ({
        %run_scoped3A = tpu.sem_alloc : memref<!tpu.dma_semaphore, #tpu.memory_space<semaphore_mem>>
        %dma_start3A = arith.constant 0 : i32
        %dma_start3A_30 = tpu.memref_slice %arg4[%add3A_23, %dma_start3A] : memref<5120x64xi32, #tpu.memory_space<hbm>> -> memref<32x64xi32, #tpu.memory_space<hbm>>
        %dma_start3A_31 = arith.constant 0 : i32
        %dma_start3A_32 = tpu.memref_slice %arg4[%add3A_23, %dma_start3A_31] : memref<5120x64xi32, #tpu.memory_space<hbm>> -> memref<32x64xi32, #tpu.memory_space<hbm>>
        tpu.enqueue_dma source(%dma_start3A_32 : memref<32x64xi32, #tpu.memory_space<hbm>>) target(%arg7 : memref<32x64xi32, #tpu.memory_space<vmem>>) target_semaphore(%run_scoped3A : memref<!tpu.dma_semaphore, #tpu.memory_space<semaphore_mem>>)
        %dma_wait3A = arith.constant 0 : i32
        %dma_wait3A_33 = tpu.memref_slice %arg4[%add3A_23, %dma_wait3A] : memref<5120x64xi32, #tpu.memory_space<hbm>> -> memref<32x64xi32, #tpu.memory_space<hbm>>
        %dma_wait3A_34 = arith.constant 0 : i32
        %dma_wait3A_35 = tpu.memref_slice %arg4[%add3A_23, %dma_wait3A_34] : memref<5120x64xi32, #tpu.memory_space<hbm>> -> memref<32x64xi32, #tpu.memory_space<hbm>>
        tpu.wait_dma2 semaphore(%run_scoped3A : memref<!tpu.dma_semaphore, #tpu.memory_space<semaphore_mem>>) src(%dma_wait3A_35 : memref<32x64xi32, #tpu.memory_space<hbm>>) dst(%arg7 : memref<32x64xi32, #tpu.memory_space<vmem>>)
        tpu.yield
      }) : () -> ()
      %scan3A_24 = arith.constant 0 : i32
      %scan3A_25 = arith.constant 0 : i32
      %scan3A_26 = arith.constant 8 : i32
      %scan3A_27 = arith.addi %scan3A_25, %scan3A_26 : i32
      %scan3A_28 = arith.constant 1 : i32
      scf.for %scan3A_30 = %scan3A_25 to %scan3A_27 step %scan3A_28  : i32 {
        %mul3A_31 = arith.constant 4 : i32
        %mul3A_32 = arith.muli %mul3A_31, %scan3A_30 : i32
        %add3A_33 = arith.constant 0 : i32
        %add3A_34 = arith.addi %mul3A_32, %add3A_33 : i32
        %dma_start3A = arith.constant 0 : i32
        %dma_start3A_35 = tpu.memref_slice %arg6[%add3A_34, %dma_start3A] : memref<32x64xi32, #tpu.memory_space<vmem>> -> memref<1x64xi32, #tpu.memory_space<vmem>>
        %dma_start3A_36 = tpu.memref_squeeze %dma_start3A_35 : memref<1x64xi32, #tpu.memory_space<vmem>> -> memref<64xi32, #tpu.memory_space<vmem>>
        %dma_start3A_37 = arith.constant 0 : i32
        %dma_start3A_38 = arith.constant 0 : i32
        %dma_start3A_39 = tpu.memref_slice %arg2[%dma_start3A_37, %dma_start3A_38] : memref<20480x128xf32, #tpu.memory_space<hbm>> -> memref<20480x128xf32, #tpu.memory_space<hbm>>
        tpu.enqueue_indirect_dma source(%dma_start3A_39 : memref<20480x128xf32, #tpu.memory_space<hbm>>) target(%arg8 : memref<64x128xf32, #tpu.memory_space<vmem>>) offsets(%dma_start3A_36 : memref<64xi32, #tpu.memory_space<vmem>>) semaphore(%arg13 : memref<!tpu.dma_semaphore, #tpu.memory_space<semaphore_mem>>)
        %add3A_40 = arith.constant 1 : i32
        %add3A_41 = arith.addi %mul3A_32, %add3A_40 : i32
        %dma_start3A_42 = arith.constant 0 : i32
        %dma_start3A_43 = tpu.memref_slice %arg6[%add3A_41, %dma_start3A_42] : memref<32x64xi32, #tpu.memory_space<vmem>> -> memref<1x64xi32, #tpu.memory_space<vmem>>
        %dma_start3A_44 = tpu.memref_squeeze %dma_start3A_43 : memref<1x64xi32, #tpu.memory_space<vmem>> -> memref<64xi32, #tpu.memory_space<vmem>>
        %dma_start3A_45 = arith.constant 0 : i32
        %dma_start3A_46 = arith.constant 0 : i32
        %dma_start3A_47 = tpu.memref_slice %arg2[%dma_start3A_45, %dma_start3A_46] : memref<20480x128xf32, #tpu.memory_space<hbm>> -> memref<20480x128xf32, #tpu.memory_space<hbm>>
        tpu.enqueue_indirect_dma source(%dma_start3A_47 : memref<20480x128xf32, #tpu.memory_space<hbm>>) target(%arg9 : memref<64x128xf32, #tpu.memory_space<vmem>>) offsets(%dma_start3A_44 : memref<64xi32, #tpu.memory_space<vmem>>) semaphore(%arg13 : memref<!tpu.dma_semaphore, #tpu.memory_space<semaphore_mem>>)
        %add3A_48 = arith.constant 2 : i32
        %add3A_49 = arith.addi %mul3A_32, %add3A_48 : i32
        %dma_start3A_50 = arith.constant 0 : i32
        %dma_start3A_51 = tpu.memref_slice %arg6[%add3A_49, %dma_start3A_50] : memref<32x64xi32, #tpu.memory_space<vmem>> -> memref<1x64xi32, #tpu.memory_space<vmem>>
        %dma_start3A_52 = tpu.memref_squeeze %dma_start3A_51 : memref<1x64xi32, #tpu.memory_space<vmem>> -> memref<64xi32, #tpu.memory_space<vmem>>
        %dma_start3A_53 = arith.constant 0 : i32
        %dma_start3A_54 = arith.constant 0 : i32
        %dma_start3A_55 = tpu.memref_slice %arg2[%dma_start3A_53, %dma_start3A_54] : memref<20480x128xf32, #tpu.memory_space<hbm>> -> memref<20480x128xf32, #tpu.memory_space<hbm>>
        tpu.enqueue_indirect_dma source(%dma_start3A_55 : memref<20480x128xf32, #tpu.memory_space<hbm>>) target(%arg10 : memref<64x128xf32, #tpu.memory_space<vmem>>) offsets(%dma_start3A_52 : memref<64xi32, #tpu.memory_space<vmem>>) semaphore(%arg13 : memref<!tpu.dma_semaphore, #tpu.memory_space<semaphore_mem>>)
        %add3A_56 = arith.constant 3 : i32
        %add3A_57 = arith.addi %mul3A_32, %add3A_56 : i32
        %dma_start3A_58 = arith.constant 0 : i32
        %dma_start3A_59 = tpu.memref_slice %arg6[%add3A_57, %dma_start3A_58] : memref<32x64xi32, #tpu.memory_space<vmem>> -> memref<1x64xi32, #tpu.memory_space<vmem>>
        %dma_start3A_60 = tpu.memref_squeeze %dma_start3A_59 : memref<1x64xi32, #tpu.memory_space<vmem>> -> memref<64xi32, #tpu.memory_space<vmem>>
        %dma_start3A_61 = arith.constant 0 : i32
        %dma_start3A_62 = arith.constant 0 : i32
        %dma_start3A_63 = tpu.memref_slice %arg2[%dma_start3A_61, %dma_start3A_62] : memref<20480x128xf32, #tpu.memory_space<hbm>> -> memref<20480x128xf32, #tpu.memory_space<hbm>>
        tpu.enqueue_indirect_dma source(%dma_start3A_63 : memref<20480x128xf32, #tpu.memory_space<hbm>>) target(%arg11 : memref<64x128xf32, #tpu.memory_space<vmem>>) offsets(%dma_start3A_60 : memref<64xi32, #tpu.memory_space<vmem>>) semaphore(%arg13 : memref<!tpu.dma_semaphore, #tpu.memory_space<semaphore_mem>>)
        %dma_wait3A = arith.constant 0 : i32
        %dma_wait3A_64 = tpu.memref_slice %arg6[%add3A_34, %dma_wait3A] : memref<32x64xi32, #tpu.memory_space<vmem>> -> memref<1x64xi32, #tpu.memory_space<vmem>>
        %dma_wait3A_65 = tpu.memref_squeeze %dma_wait3A_64 : memref<1x64xi32, #tpu.memory_space<vmem>> -> memref<64xi32, #tpu.memory_space<vmem>>
        %dma_wait3A_66 = arith.constant 0 : i32
        %dma_wait3A_67 = arith.constant 0 : i32
        %dma_wait3A_68 = tpu.memref_slice %arg2[%dma_wait3A_66, %dma_wait3A_67] : memref<20480x128xf32, #tpu.memory_space<hbm>> -> memref<20480x128xf32, #tpu.memory_space<hbm>>
        tpu.wait_indirect_dma semaphore(%arg13 : memref<!tpu.dma_semaphore, #tpu.memory_space<semaphore_mem>>) src(%dma_wait3A_68 : memref<20480x128xf32, #tpu.memory_space<hbm>>) dst(%arg8 : memref<64x128xf32, #tpu.memory_space<vmem>>)
        %add3A_69 = arith.constant 0 : i32
        %add3A_70 = arith.addi %mul3A_32, %add3A_69 : i32
        %dma_start3A_71 = arith.constant 0 : i32
        %dma_start3A_72 = tpu.memref_slice %arg7[%add3A_70, %dma_start3A_71] : memref<32x64xi32, #tpu.memory_space<vmem>> -> memref<1x64xi32, #tpu.memory_space<vmem>>
        %dma_start3A_73 = tpu.memref_squeeze %dma_start3A_72 : memref<1x64xi32, #tpu.memory_space<vmem>> -> memref<64xi32, #tpu.memory_space<vmem>>
        %dma_start3A_74 = arith.constant 0 : i32
        %dma_start3A_75 = arith.constant 0 : i32
        %dma_start3A_76 = tpu.memref_slice %arg12[%dma_start3A_74, %dma_start3A_75] : memref<10240x128xf32, #tpu.memory_space<vmem_shared>> -> memref<10240x128xf32, #tpu.memory_space<vmem_shared>>
        tpu.enqueue_indirect_dma source(%arg8 : memref<64x128xf32, #tpu.memory_space<vmem>>) target(%dma_start3A_76 : memref<10240x128xf32, #tpu.memory_space<vmem_shared>>) offsets(%dma_start3A_73 : memref<64xi32, #tpu.memory_space<vmem>>) semaphore(%arg14 : memref<!tpu.dma_semaphore, #tpu.memory_space<semaphore_mem>>) {add = true}
        %dma_wait3A_77 = arith.constant 0 : i32
        %dma_wait3A_78 = tpu.memref_slice %arg6[%add3A_41, %dma_wait3A_77] : memref<32x64xi32, #tpu.memory_space<vmem>> -> memref<1x64xi32, #tpu.memory_space<vmem>>
        %dma_wait3A_79 = tpu.memref_squeeze %dma_wait3A_78 : memref<1x64xi32, #tpu.memory_space<vmem>> -> memref<64xi32, #tpu.memory_space<vmem>>
        %dma_wait3A_80 = arith.constant 0 : i32
        %dma_wait3A_81 = arith.constant 0 : i32
        %dma_wait3A_82 = tpu.memref_slice %arg2[%dma_wait3A_80, %dma_wait3A_81] : memref<20480x128xf32, #tpu.memory_space<hbm>> -> memref<20480x128xf32, #tpu.memory_space<hbm>>
        tpu.wait_indirect_dma semaphore(%arg13 : memref<!tpu.dma_semaphore, #tpu.memory_space<semaphore_mem>>) src(%dma_wait3A_82 : memref<20480x128xf32, #tpu.memory_space<hbm>>) dst(%arg9 : memref<64x128xf32, #tpu.memory_space<vmem>>)
        %add3A_83 = arith.constant 1 : i32
        %add3A_84 = arith.addi %mul3A_32, %add3A_83 : i32
        %dma_start3A_85 = arith.constant 0 : i32
        %dma_start3A_86 = tpu.memref_slice %arg7[%add3A_84, %dma_start3A_85] : memref<32x64xi32, #tpu.memory_space<vmem>> -> memref<1x64xi32, #tpu.memory_space<vmem>>
        %dma_start3A_87 = tpu.memref_squeeze %dma_start3A_86 : memref<1x64xi32, #tpu.memory_space<vmem>> -> memref<64xi32, #tpu.memory_space<vmem>>
        %dma_start3A_88 = arith.constant 0 : i32
        %dma_start3A_89 = arith.constant 0 : i32
        %dma_start3A_90 = tpu.memref_slice %arg12[%dma_start3A_88, %dma_start3A_89] : memref<10240x128xf32, #tpu.memory_space<vmem_shared>> -> memref<10240x128xf32, #tpu.memory_space<vmem_shared>>
        tpu.enqueue_indirect_dma source(%arg9 : memref<64x128xf32, #tpu.memory_space<vmem>>) target(%dma_start3A_90 : memref<10240x128xf32, #tpu.memory_space<vmem_shared>>) offsets(%dma_start3A_87 : memref<64xi32, #tpu.memory_space<vmem>>) semaphore(%arg14 : memref<!tpu.dma_semaphore, #tpu.memory_space<semaphore_mem>>) {add = true}
        %dma_wait3A_91 = arith.constant 0 : i32
        %dma_wait3A_92 = tpu.memref_slice %arg6[%add3A_49, %dma_wait3A_91] : memref<32x64xi32, #tpu.memory_space<vmem>> -> memref<1x64xi32, #tpu.memory_space<vmem>>
        %dma_wait3A_93 = tpu.memref_squeeze %dma_wait3A_92 : memref<1x64xi32, #tpu.memory_space<vmem>> -> memref<64xi32, #tpu.memory_space<vmem>>
        %dma_wait3A_94 = arith.constant 0 : i32
        %dma_wait3A_95 = arith.constant 0 : i32
        %dma_wait3A_96 = tpu.memref_slice %arg2[%dma_wait3A_94, %dma_wait3A_95] : memref<20480x128xf32, #tpu.memory_space<hbm>> -> memref<20480x128xf32, #tpu.memory_space<hbm>>
        tpu.wait_indirect_dma semaphore(%arg13 : memref<!tpu.dma_semaphore, #tpu.memory_space<semaphore_mem>>) src(%dma_wait3A_96 : memref<20480x128xf32, #tpu.memory_space<hbm>>) dst(%arg10 : memref<64x128xf32, #tpu.memory_space<vmem>>)
        %add3A_97 = arith.constant 2 : i32
        %add3A_98 = arith.addi %mul3A_32, %add3A_97 : i32
        %dma_start3A_99 = arith.constant 0 : i32
        %dma_start3A_100 = tpu.memref_slice %arg7[%add3A_98, %dma_start3A_99] : memref<32x64xi32, #tpu.memory_space<vmem>> -> memref<1x64xi32, #tpu.memory_space<vmem>>
        %dma_start3A_101 = tpu.memref_squeeze %dma_start3A_100 : memref<1x64xi32, #tpu.memory_space<vmem>> -> memref<64xi32, #tpu.memory_space<vmem>>
        %dma_start3A_102 = arith.constant 0 : i32
        %dma_start3A_103 = arith.constant 0 : i32
        %dma_start3A_104 = tpu.memref_slice %arg12[%dma_start3A_102, %dma_start3A_103] : memref<10240x128xf32, #tpu.memory_space<vmem_shared>> -> memref<10240x128xf32, #tpu.memory_space<vmem_shared>>
        tpu.enqueue_indirect_dma source(%arg10 : memref<64x128xf32, #tpu.memory_space<vmem>>) target(%dma_start3A_104 : memref<10240x128xf32, #tpu.memory_space<vmem_shared>>) offsets(%dma_start3A_101 : memref<64xi32, #tpu.memory_space<vmem>>) semaphore(%arg14 : memref<!tpu.dma_semaphore, #tpu.memory_space<semaphore_mem>>) {add = true}
        %dma_wait3A_105 = arith.constant 0 : i32
        %dma_wait3A_106 = tpu.memref_slice %arg6[%add3A_57, %dma_wait3A_105] : memref<32x64xi32, #tpu.memory_space<vmem>> -> memref<1x64xi32, #tpu.memory_space<vmem>>
        %dma_wait3A_107 = tpu.memref_squeeze %dma_wait3A_106 : memref<1x64xi32, #tpu.memory_space<vmem>> -> memref<64xi32, #tpu.memory_space<vmem>>
        %dma_wait3A_108 = arith.constant 0 : i32
        %dma_wait3A_109 = arith.constant 0 : i32
        %dma_wait3A_110 = tpu.memref_slice %arg2[%dma_wait3A_108, %dma_wait3A_109] : memref<20480x128xf32, #tpu.memory_space<hbm>> -> memref<20480x128xf32, #tpu.memory_space<hbm>>
        tpu.wait_indirect_dma semaphore(%arg13 : memref<!tpu.dma_semaphore, #tpu.memory_space<semaphore_mem>>) src(%dma_wait3A_110 : memref<20480x128xf32, #tpu.memory_space<hbm>>) dst(%arg11 : memref<64x128xf32, #tpu.memory_space<vmem>>)
        %add3A_111 = arith.constant 3 : i32
        %add3A_112 = arith.addi %mul3A_32, %add3A_111 : i32
        %dma_start3A_113 = arith.constant 0 : i32
        %dma_start3A_114 = tpu.memref_slice %arg7[%add3A_112, %dma_start3A_113] : memref<32x64xi32, #tpu.memory_space<vmem>> -> memref<1x64xi32, #tpu.memory_space<vmem>>
        %dma_start3A_115 = tpu.memref_squeeze %dma_start3A_114 : memref<1x64xi32, #tpu.memory_space<vmem>> -> memref<64xi32, #tpu.memory_space<vmem>>
        %dma_start3A_116 = arith.constant 0 : i32
        %dma_start3A_117 = arith.constant 0 : i32
        %dma_start3A_118 = tpu.memref_slice %arg12[%dma_start3A_116, %dma_start3A_117] : memref<10240x128xf32, #tpu.memory_space<vmem_shared>> -> memref<10240x128xf32, #tpu.memory_space<vmem_shared>>
        tpu.enqueue_indirect_dma source(%arg11 : memref<64x128xf32, #tpu.memory_space<vmem>>) target(%dma_start3A_118 : memref<10240x128xf32, #tpu.memory_space<vmem_shared>>) offsets(%dma_start3A_115 : memref<64xi32, #tpu.memory_space<vmem>>) semaphore(%arg14 : memref<!tpu.dma_semaphore, #tpu.memory_space<semaphore_mem>>) {add = true}
        %dma_wait3A_119 = arith.constant 0 : i32
        %dma_wait3A_120 = tpu.memref_slice %arg7[%add3A_70, %dma_wait3A_119] : memref<32x64xi32, #tpu.memory_space<vmem>> -> memref<1x64xi32, #tpu.memory_space<vmem>>
        %dma_wait3A_121 = tpu.memref_squeeze %dma_wait3A_120 : memref<1x64xi32, #tpu.memory_space<vmem>> -> memref<64xi32, #tpu.memory_space<vmem>>
        %dma_wait3A_122 = arith.constant 0 : i32
        %dma_wait3A_123 = arith.constant 0 : i32
        %dma_wait3A_124 = tpu.memref_slice %arg12[%dma_wait3A_122, %dma_wait3A_123] : memref<10240x128xf32, #tpu.memory_space<vmem_shared>> -> memref<10240x128xf32, #tpu.memory_space<vmem_shared>>
        tpu.wait_indirect_dma semaphore(%arg14 : memref<!tpu.dma_semaphore, #tpu.memory_space<semaphore_mem>>) src(%arg8 : memref<64x128xf32, #tpu.memory_space<vmem>>) dst(%dma_wait3A_124 : memref<10240x128xf32, #tpu.memory_space<vmem_shared>>)
        %dma_wait3A_125 = arith.constant 0 : i32
        %dma_wait3A_126 = tpu.memref_slice %arg7[%add3A_84, %dma_wait3A_125] : memref<32x64xi32, #tpu.memory_space<vmem>> -> memref<1x64xi32, #tpu.memory_space<vmem>>
        %dma_wait3A_127 = tpu.memref_squeeze %dma_wait3A_126 : memref<1x64xi32, #tpu.memory_space<vmem>> -> memref<64xi32, #tpu.memory_space<vmem>>
        %dma_wait3A_128 = arith.constant 0 : i32
        %dma_wait3A_129 = arith.constant 0 : i32
        %dma_wait3A_130 = tpu.memref_slice %arg12[%dma_wait3A_128, %dma_wait3A_129] : memref<10240x128xf32, #tpu.memory_space<vmem_shared>> -> memref<10240x128xf32, #tpu.memory_space<vmem_shared>>
        tpu.wait_indirect_dma semaphore(%arg14 : memref<!tpu.dma_semaphore, #tpu.memory_space<semaphore_mem>>) src(%arg9 : memref<64x128xf32, #tpu.memory_space<vmem>>) dst(%dma_wait3A_130 : memref<10240x128xf32, #tpu.memory_space<vmem_shared>>)
        %dma_wait3A_131 = arith.constant 0 : i32
        %dma_wait3A_132 = tpu.memref_slice %arg7[%add3A_98, %dma_wait3A_131] : memref<32x64xi32, #tpu.memory_space<vmem>> -> memref<1x64xi32, #tpu.memory_space<vmem>>
        %dma_wait3A_133 = tpu.memref_squeeze %dma_wait3A_132 : memref<1x64xi32, #tpu.memory_space<vmem>> -> memref<64xi32, #tpu.memory_space<vmem>>
        %dma_wait3A_134 = arith.constant 0 : i32
        %dma_wait3A_135 = arith.constant 0 : i32
        %dma_wait3A_136 = tpu.memref_slice %arg12[%dma_wait3A_134, %dma_wait3A_135] : memref<10240x128xf32, #tpu.memory_space<vmem_shared>> -> memref<10240x128xf32, #tpu.memory_space<vmem_shared>>
        tpu.wait_indirect_dma semaphore(%arg14 : memref<!tpu.dma_semaphore, #tpu.memory_space<semaphore_mem>>) src(%arg10 : memref<64x128xf32, #tpu.memory_space<vmem>>) dst(%dma_wait3A_136 : memref<10240x128xf32, #tpu.memory_space<vmem_shared>>)
        %dma_wait3A_137 = arith.constant 0 : i32
        %dma_wait3A_138 = tpu.memref_slice %arg7[%add3A_112, %dma_wait3A_137] : memref<32x64xi32, #tpu.memory_space<vmem>> -> memref<1x64xi32, #tpu.memory_space<vmem>>
        %dma_wait3A_139 = tpu.memref_squeeze %dma_wait3A_138 : memref<1x64xi32, #tpu.memory_space<vmem>> -> memref<64xi32, #tpu.memory_space<vmem>>
        %dma_wait3A_140 = arith.constant 0 : i32
        %dma_wait3A_141 = arith.constant 0 : i32
        %dma_wait3A_142 = tpu.memref_slice %arg12[%dma_wait3A_140, %dma_wait3A_141] : memref<10240x128xf32, #tpu.memory_space<vmem_shared>> -> memref<10240x128xf32, #tpu.memory_space<vmem_shared>>
        tpu.wait_indirect_dma semaphore(%arg14 : memref<!tpu.dma_semaphore, #tpu.memory_space<semaphore_mem>>) src(%arg11 : memref<64x128xf32, #tpu.memory_space<vmem>>) dst(%dma_wait3A_142 : memref<10240x128xf32, #tpu.memory_space<vmem_shared>>)
      }
      %scan3A_29 = arith.constant 8 : i32
    }
    %scan3A_12 = arith.constant 5 : i32
    %barrier3A_13 = arith.constant 0 : index
    tpu.barrier barrier_id(%barrier3A_13)
    %mul3A_14 = arith.constant 10240 : i32
    %mul3A_15 = arith.muli %arg0, %mul3A_14 : i32
    %add3A_16 = arith.addi %mul3A_15, %mul3A_0 : i32
    "tpu.region"() ({
      %run_scoped3A = tpu.sem_alloc : memref<!tpu.dma_semaphore, #tpu.memory_space<semaphore_mem>>
      %dma_start3A = arith.constant 0 : i32
      %dma_start3A_17 = tpu.memref_slice %arg5[%add3A_16, %dma_start3A] : memref<20480x128xf32, #tpu.memory_space<hbm>> -> memref<640x128xf32, #tpu.memory_space<hbm>>
      %dma_start3A_18 = arith.constant 0 : i32
      %dma_start3A_19 = tpu.memref_slice %arg12[%mul3A_0, %dma_start3A_18] : memref<10240x128xf32, #tpu.memory_space<vmem_shared>> -> memref<640x128xf32, #tpu.memory_space<vmem_shared>>
      tpu.enqueue_dma source(%dma_start3A_19 : memref<640x128xf32, #tpu.memory_space<vmem_shared>>) target(%dma_start3A_17 : memref<640x128xf32, #tpu.memory_space<hbm>>) target_semaphore(%run_scoped3A : memref<!tpu.dma_semaphore, #tpu.memory_space<semaphore_mem>>)
      %dma_wait3A = arith.constant 0 : i32
      %dma_wait3A_20 = tpu.memref_slice %arg5[%add3A_16, %dma_wait3A] : memref<20480x128xf32, #tpu.memory_space<hbm>> -> memref<640x128xf32, #tpu.memory_space<hbm>>
      %dma_wait3A_21 = arith.constant 0 : i32
      %dma_wait3A_22 = tpu.memref_slice %arg12[%mul3A_0, %dma_wait3A_21] : memref<10240x128xf32, #tpu.memory_space<vmem_shared>> -> memref<640x128xf32, #tpu.memory_space<vmem_shared>>
      tpu.wait_dma2 semaphore(%run_scoped3A : memref<!tpu.dma_semaphore, #tpu.memory_space<semaphore_mem>>) src(%dma_wait3A_22 : memref<640x128xf32, #tpu.memory_space<vmem_shared>>) dst(%dma_wait3A_20 : memref<640x128xf32, #tpu.memory_space<hbm>>)
      tpu.yield
    }) : () -> ()
    return
  }
}

#map = affine_map<(d0, d1) -> (0, 0)>
module attributes {stable_mosaic.version = 14 : i64} {
  func.func @gin_agg_k320(%arg0: i32, %arg1: i32, %arg2: memref<20480x128xf32, #tpu.memory_space<hbm>>, %arg3: memref<10240x64xi32, #tpu.memory_space<hbm>>, %arg4: memref<10240x64xi32, #tpu.memory_space<hbm>>, %arg5: memref<20480x128xf32, #tpu.memory_space<hbm>>, %arg6: memref<32x64xi32, #tpu.memory_space<vmem>>, %arg7: memref<32x64xi32, #tpu.memory_space<vmem>>, %arg8: memref<64x128xf32, #tpu.memory_space<vmem>>, %arg9: memref<64x128xf32, #tpu.memory_space<vmem>>, %arg10: memref<64x128xf32, #tpu.memory_space<vmem>>, %arg11: memref<64x128xf32, #tpu.memory_space<vmem>>, %arg12: memref<10240x128xf32, #tpu.memory_space<vmem_shared>>, %arg13: memref<!tpu.dma_semaphore, #tpu.memory_space<semaphore_mem>>, %arg14: memref<!tpu.dma_semaphore, #tpu.memory_space<semaphore_mem>>) attributes {dimension_semantics = [#tpu.dimension_semantics<core_parallel>, #tpu.dimension_semantics<subcore_parallel>], iteration_bounds = array<i64: 2, 16>, scalar_prefetch = 0 : i64, scratch_operands = 9 : i64, tpu.core_type = #tpu.core_type<sc_vector_subcore>, window_params = [{transform_indices = #map}, {transform_indices = #map}, {transform_indices = #map}, {transform_indices = #map}]} {
    %mul3A = arith.constant 640 : i32
    %mul3A_0 = arith.muli %arg1, %mul3A : i32
    %mul3A_1 = arith.constant 10240 : i32
    %mul3A_2 = arith.muli %arg0, %mul3A_1 : i32
    %add3A = arith.addi %mul3A_2, %mul3A_0 : i32
    "tpu.region"() ({
      %run_scoped3A = tpu.sem_alloc : memref<!tpu.dma_semaphore, #tpu.memory_space<semaphore_mem>>
      %dma_start3A = arith.constant 0 : i32
      %dma_start3A_17 = tpu.memref_slice %arg12[%mul3A_0, %dma_start3A] : memref<10240x128xf32, #tpu.memory_space<vmem_shared>> -> memref<640x128xf32, #tpu.memory_space<vmem_shared>>
      %dma_start3A_18 = arith.constant 0 : i32
      %dma_start3A_19 = tpu.memref_slice %arg2[%add3A, %dma_start3A_18] : memref<20480x128xf32, #tpu.memory_space<hbm>> -> memref<640x128xf32, #tpu.memory_space<hbm>>
      tpu.enqueue_dma source(%dma_start3A_19 : memref<640x128xf32, #tpu.memory_space<hbm>>) target(%dma_start3A_17 : memref<640x128xf32, #tpu.memory_space<vmem_shared>>) target_semaphore(%run_scoped3A : memref<!tpu.dma_semaphore, #tpu.memory_space<semaphore_mem>>)
      %dma_wait3A = arith.constant 0 : i32
      %dma_wait3A_20 = tpu.memref_slice %arg12[%mul3A_0, %dma_wait3A] : memref<10240x128xf32, #tpu.memory_space<vmem_shared>> -> memref<640x128xf32, #tpu.memory_space<vmem_shared>>
      %dma_wait3A_21 = arith.constant 0 : i32
      %dma_wait3A_22 = tpu.memref_slice %arg2[%add3A, %dma_wait3A_21] : memref<20480x128xf32, #tpu.memory_space<hbm>> -> memref<640x128xf32, #tpu.memory_space<hbm>>
      tpu.wait_dma2 semaphore(%run_scoped3A : memref<!tpu.dma_semaphore, #tpu.memory_space<semaphore_mem>>) src(%dma_wait3A_22 : memref<640x128xf32, #tpu.memory_space<hbm>>) dst(%dma_wait3A_20 : memref<640x128xf32, #tpu.memory_space<vmem_shared>>)
      tpu.yield
    }) : () -> ()
    %mul3A_3 = arith.constant 5120 : i32
    %mul3A_4 = arith.muli %arg0, %mul3A_3 : i32
    %mul3A_5 = arith.constant 320 : i32
    %mul3A_6 = arith.muli %arg1, %mul3A_5 : i32
    %add3A_7 = arith.addi %mul3A_4, %mul3A_6 : i32
    %barrier3A = arith.constant 0 : index
    tpu.barrier barrier_id(%barrier3A)
    %scan3A = arith.constant 0 : i32
    %scan3A_8 = arith.constant 0 : i32
    %scan3A_9 = arith.constant 10 : i32
    %scan3A_10 = arith.addi %scan3A_8, %scan3A_9 : i32
    %scan3A_11 = arith.constant 1 : i32
    scf.for %scan3A_17 = %scan3A_8 to %scan3A_10 step %scan3A_11  : i32 {
      %mul3A_18 = arith.constant 32 : i32
      %mul3A_19 = arith.muli %scan3A_17, %mul3A_18 : i32
      %add3A_20 = arith.addi %add3A_7, %mul3A_19 : i32
      "tpu.region"() ({
        %run_scoped3A = tpu.sem_alloc : memref<!tpu.dma_semaphore, #tpu.memory_space<semaphore_mem>>
        %dma_start3A = arith.constant 0 : i32
        %dma_start3A_30 = tpu.memref_slice %arg3[%add3A_20, %dma_start3A] : memref<10240x64xi32, #tpu.memory_space<hbm>> -> memref<32x64xi32, #tpu.memory_space<hbm>>
        %dma_start3A_31 = arith.constant 0 : i32
        %dma_start3A_32 = tpu.memref_slice %arg3[%add3A_20, %dma_start3A_31] : memref<10240x64xi32, #tpu.memory_space<hbm>> -> memref<32x64xi32, #tpu.memory_space<hbm>>
        tpu.enqueue_dma source(%dma_start3A_32 : memref<32x64xi32, #tpu.memory_space<hbm>>) target(%arg6 : memref<32x64xi32, #tpu.memory_space<vmem>>) target_semaphore(%run_scoped3A : memref<!tpu.dma_semaphore, #tpu.memory_space<semaphore_mem>>)
        %dma_wait3A = arith.constant 0 : i32
        %dma_wait3A_33 = tpu.memref_slice %arg3[%add3A_20, %dma_wait3A] : memref<10240x64xi32, #tpu.memory_space<hbm>> -> memref<32x64xi32, #tpu.memory_space<hbm>>
        %dma_wait3A_34 = arith.constant 0 : i32
        %dma_wait3A_35 = tpu.memref_slice %arg3[%add3A_20, %dma_wait3A_34] : memref<10240x64xi32, #tpu.memory_space<hbm>> -> memref<32x64xi32, #tpu.memory_space<hbm>>
        tpu.wait_dma2 semaphore(%run_scoped3A : memref<!tpu.dma_semaphore, #tpu.memory_space<semaphore_mem>>) src(%dma_wait3A_35 : memref<32x64xi32, #tpu.memory_space<hbm>>) dst(%arg6 : memref<32x64xi32, #tpu.memory_space<vmem>>)
        tpu.yield
      }) : () -> ()
      %mul3A_21 = arith.constant 32 : i32
      %mul3A_22 = arith.muli %scan3A_17, %mul3A_21 : i32
      %add3A_23 = arith.addi %add3A_7, %mul3A_22 : i32
      "tpu.region"() ({
        %run_scoped3A = tpu.sem_alloc : memref<!tpu.dma_semaphore, #tpu.memory_space<semaphore_mem>>
        %dma_start3A = arith.constant 0 : i32
        %dma_start3A_30 = tpu.memref_slice %arg4[%add3A_23, %dma_start3A] : memref<10240x64xi32, #tpu.memory_space<hbm>> -> memref<32x64xi32, #tpu.memory_space<hbm>>
        %dma_start3A_31 = arith.constant 0 : i32
        %dma_start3A_32 = tpu.memref_slice %arg4[%add3A_23, %dma_start3A_31] : memref<10240x64xi32, #tpu.memory_space<hbm>> -> memref<32x64xi32, #tpu.memory_space<hbm>>
        tpu.enqueue_dma source(%dma_start3A_32 : memref<32x64xi32, #tpu.memory_space<hbm>>) target(%arg7 : memref<32x64xi32, #tpu.memory_space<vmem>>) target_semaphore(%run_scoped3A : memref<!tpu.dma_semaphore, #tpu.memory_space<semaphore_mem>>)
        %dma_wait3A = arith.constant 0 : i32
        %dma_wait3A_33 = tpu.memref_slice %arg4[%add3A_23, %dma_wait3A] : memref<10240x64xi32, #tpu.memory_space<hbm>> -> memref<32x64xi32, #tpu.memory_space<hbm>>
        %dma_wait3A_34 = arith.constant 0 : i32
        %dma_wait3A_35 = tpu.memref_slice %arg4[%add3A_23, %dma_wait3A_34] : memref<10240x64xi32, #tpu.memory_space<hbm>> -> memref<32x64xi32, #tpu.memory_space<hbm>>
        tpu.wait_dma2 semaphore(%run_scoped3A : memref<!tpu.dma_semaphore, #tpu.memory_space<semaphore_mem>>) src(%dma_wait3A_35 : memref<32x64xi32, #tpu.memory_space<hbm>>) dst(%arg7 : memref<32x64xi32, #tpu.memory_space<vmem>>)
        tpu.yield
      }) : () -> ()
      %scan3A_24 = arith.constant 0 : i32
      %scan3A_25 = arith.constant 0 : i32
      %scan3A_26 = arith.constant 8 : i32
      %scan3A_27 = arith.addi %scan3A_25, %scan3A_26 : i32
      %scan3A_28 = arith.constant 1 : i32
      scf.for %scan3A_30 = %scan3A_25 to %scan3A_27 step %scan3A_28  : i32 {
        %mul3A_31 = arith.constant 4 : i32
        %mul3A_32 = arith.muli %mul3A_31, %scan3A_30 : i32
        %add3A_33 = arith.constant 0 : i32
        %add3A_34 = arith.addi %mul3A_32, %add3A_33 : i32
        %dma_start3A = arith.constant 0 : i32
        %dma_start3A_35 = tpu.memref_slice %arg6[%add3A_34, %dma_start3A] : memref<32x64xi32, #tpu.memory_space<vmem>> -> memref<1x64xi32, #tpu.memory_space<vmem>>
        %dma_start3A_36 = tpu.memref_squeeze %dma_start3A_35 : memref<1x64xi32, #tpu.memory_space<vmem>> -> memref<64xi32, #tpu.memory_space<vmem>>
        %dma_start3A_37 = arith.constant 0 : i32
        %dma_start3A_38 = arith.constant 0 : i32
        %dma_start3A_39 = tpu.memref_slice %arg2[%dma_start3A_37, %dma_start3A_38] : memref<20480x128xf32, #tpu.memory_space<hbm>> -> memref<20480x128xf32, #tpu.memory_space<hbm>>
        tpu.enqueue_indirect_dma source(%dma_start3A_39 : memref<20480x128xf32, #tpu.memory_space<hbm>>) target(%arg8 : memref<64x128xf32, #tpu.memory_space<vmem>>) offsets(%dma_start3A_36 : memref<64xi32, #tpu.memory_space<vmem>>) semaphore(%arg13 : memref<!tpu.dma_semaphore, #tpu.memory_space<semaphore_mem>>)
        %add3A_40 = arith.constant 1 : i32
        %add3A_41 = arith.addi %mul3A_32, %add3A_40 : i32
        %dma_start3A_42 = arith.constant 0 : i32
        %dma_start3A_43 = tpu.memref_slice %arg6[%add3A_41, %dma_start3A_42] : memref<32x64xi32, #tpu.memory_space<vmem>> -> memref<1x64xi32, #tpu.memory_space<vmem>>
        %dma_start3A_44 = tpu.memref_squeeze %dma_start3A_43 : memref<1x64xi32, #tpu.memory_space<vmem>> -> memref<64xi32, #tpu.memory_space<vmem>>
        %dma_start3A_45 = arith.constant 0 : i32
        %dma_start3A_46 = arith.constant 0 : i32
        %dma_start3A_47 = tpu.memref_slice %arg2[%dma_start3A_45, %dma_start3A_46] : memref<20480x128xf32, #tpu.memory_space<hbm>> -> memref<20480x128xf32, #tpu.memory_space<hbm>>
        tpu.enqueue_indirect_dma source(%dma_start3A_47 : memref<20480x128xf32, #tpu.memory_space<hbm>>) target(%arg9 : memref<64x128xf32, #tpu.memory_space<vmem>>) offsets(%dma_start3A_44 : memref<64xi32, #tpu.memory_space<vmem>>) semaphore(%arg13 : memref<!tpu.dma_semaphore, #tpu.memory_space<semaphore_mem>>)
        %add3A_48 = arith.constant 2 : i32
        %add3A_49 = arith.addi %mul3A_32, %add3A_48 : i32
        %dma_start3A_50 = arith.constant 0 : i32
        %dma_start3A_51 = tpu.memref_slice %arg6[%add3A_49, %dma_start3A_50] : memref<32x64xi32, #tpu.memory_space<vmem>> -> memref<1x64xi32, #tpu.memory_space<vmem>>
        %dma_start3A_52 = tpu.memref_squeeze %dma_start3A_51 : memref<1x64xi32, #tpu.memory_space<vmem>> -> memref<64xi32, #tpu.memory_space<vmem>>
        %dma_start3A_53 = arith.constant 0 : i32
        %dma_start3A_54 = arith.constant 0 : i32
        %dma_start3A_55 = tpu.memref_slice %arg2[%dma_start3A_53, %dma_start3A_54] : memref<20480x128xf32, #tpu.memory_space<hbm>> -> memref<20480x128xf32, #tpu.memory_space<hbm>>
        tpu.enqueue_indirect_dma source(%dma_start3A_55 : memref<20480x128xf32, #tpu.memory_space<hbm>>) target(%arg10 : memref<64x128xf32, #tpu.memory_space<vmem>>) offsets(%dma_start3A_52 : memref<64xi32, #tpu.memory_space<vmem>>) semaphore(%arg13 : memref<!tpu.dma_semaphore, #tpu.memory_space<semaphore_mem>>)
        %add3A_56 = arith.constant 3 : i32
        %add3A_57 = arith.addi %mul3A_32, %add3A_56 : i32
        %dma_start3A_58 = arith.constant 0 : i32
        %dma_start3A_59 = tpu.memref_slice %arg6[%add3A_57, %dma_start3A_58] : memref<32x64xi32, #tpu.memory_space<vmem>> -> memref<1x64xi32, #tpu.memory_space<vmem>>
        %dma_start3A_60 = tpu.memref_squeeze %dma_start3A_59 : memref<1x64xi32, #tpu.memory_space<vmem>> -> memref<64xi32, #tpu.memory_space<vmem>>
        %dma_start3A_61 = arith.constant 0 : i32
        %dma_start3A_62 = arith.constant 0 : i32
        %dma_start3A_63 = tpu.memref_slice %arg2[%dma_start3A_61, %dma_start3A_62] : memref<20480x128xf32, #tpu.memory_space<hbm>> -> memref<20480x128xf32, #tpu.memory_space<hbm>>
        tpu.enqueue_indirect_dma source(%dma_start3A_63 : memref<20480x128xf32, #tpu.memory_space<hbm>>) target(%arg11 : memref<64x128xf32, #tpu.memory_space<vmem>>) offsets(%dma_start3A_60 : memref<64xi32, #tpu.memory_space<vmem>>) semaphore(%arg13 : memref<!tpu.dma_semaphore, #tpu.memory_space<semaphore_mem>>)
        %dma_wait3A = arith.constant 0 : i32
        %dma_wait3A_64 = tpu.memref_slice %arg6[%add3A_34, %dma_wait3A] : memref<32x64xi32, #tpu.memory_space<vmem>> -> memref<1x64xi32, #tpu.memory_space<vmem>>
        %dma_wait3A_65 = tpu.memref_squeeze %dma_wait3A_64 : memref<1x64xi32, #tpu.memory_space<vmem>> -> memref<64xi32, #tpu.memory_space<vmem>>
        %dma_wait3A_66 = arith.constant 0 : i32
        %dma_wait3A_67 = arith.constant 0 : i32
        %dma_wait3A_68 = tpu.memref_slice %arg2[%dma_wait3A_66, %dma_wait3A_67] : memref<20480x128xf32, #tpu.memory_space<hbm>> -> memref<20480x128xf32, #tpu.memory_space<hbm>>
        tpu.wait_indirect_dma semaphore(%arg13 : memref<!tpu.dma_semaphore, #tpu.memory_space<semaphore_mem>>) src(%dma_wait3A_68 : memref<20480x128xf32, #tpu.memory_space<hbm>>) dst(%arg8 : memref<64x128xf32, #tpu.memory_space<vmem>>)
        %add3A_69 = arith.constant 0 : i32
        %add3A_70 = arith.addi %mul3A_32, %add3A_69 : i32
        %dma_start3A_71 = arith.constant 0 : i32
        %dma_start3A_72 = tpu.memref_slice %arg7[%add3A_70, %dma_start3A_71] : memref<32x64xi32, #tpu.memory_space<vmem>> -> memref<1x64xi32, #tpu.memory_space<vmem>>
        %dma_start3A_73 = tpu.memref_squeeze %dma_start3A_72 : memref<1x64xi32, #tpu.memory_space<vmem>> -> memref<64xi32, #tpu.memory_space<vmem>>
        %dma_start3A_74 = arith.constant 0 : i32
        %dma_start3A_75 = arith.constant 0 : i32
        %dma_start3A_76 = tpu.memref_slice %arg12[%dma_start3A_74, %dma_start3A_75] : memref<10240x128xf32, #tpu.memory_space<vmem_shared>> -> memref<10240x128xf32, #tpu.memory_space<vmem_shared>>
        tpu.enqueue_indirect_dma source(%arg8 : memref<64x128xf32, #tpu.memory_space<vmem>>) target(%dma_start3A_76 : memref<10240x128xf32, #tpu.memory_space<vmem_shared>>) offsets(%dma_start3A_73 : memref<64xi32, #tpu.memory_space<vmem>>) semaphore(%arg14 : memref<!tpu.dma_semaphore, #tpu.memory_space<semaphore_mem>>) {add = true}
        %dma_wait3A_77 = arith.constant 0 : i32
        %dma_wait3A_78 = tpu.memref_slice %arg6[%add3A_41, %dma_wait3A_77] : memref<32x64xi32, #tpu.memory_space<vmem>> -> memref<1x64xi32, #tpu.memory_space<vmem>>
        %dma_wait3A_79 = tpu.memref_squeeze %dma_wait3A_78 : memref<1x64xi32, #tpu.memory_space<vmem>> -> memref<64xi32, #tpu.memory_space<vmem>>
        %dma_wait3A_80 = arith.constant 0 : i32
        %dma_wait3A_81 = arith.constant 0 : i32
        %dma_wait3A_82 = tpu.memref_slice %arg2[%dma_wait3A_80, %dma_wait3A_81] : memref<20480x128xf32, #tpu.memory_space<hbm>> -> memref<20480x128xf32, #tpu.memory_space<hbm>>
        tpu.wait_indirect_dma semaphore(%arg13 : memref<!tpu.dma_semaphore, #tpu.memory_space<semaphore_mem>>) src(%dma_wait3A_82 : memref<20480x128xf32, #tpu.memory_space<hbm>>) dst(%arg9 : memref<64x128xf32, #tpu.memory_space<vmem>>)
        %add3A_83 = arith.constant 1 : i32
        %add3A_84 = arith.addi %mul3A_32, %add3A_83 : i32
        %dma_start3A_85 = arith.constant 0 : i32
        %dma_start3A_86 = tpu.memref_slice %arg7[%add3A_84, %dma_start3A_85] : memref<32x64xi32, #tpu.memory_space<vmem>> -> memref<1x64xi32, #tpu.memory_space<vmem>>
        %dma_start3A_87 = tpu.memref_squeeze %dma_start3A_86 : memref<1x64xi32, #tpu.memory_space<vmem>> -> memref<64xi32, #tpu.memory_space<vmem>>
        %dma_start3A_88 = arith.constant 0 : i32
        %dma_start3A_89 = arith.constant 0 : i32
        %dma_start3A_90 = tpu.memref_slice %arg12[%dma_start3A_88, %dma_start3A_89] : memref<10240x128xf32, #tpu.memory_space<vmem_shared>> -> memref<10240x128xf32, #tpu.memory_space<vmem_shared>>
        tpu.enqueue_indirect_dma source(%arg9 : memref<64x128xf32, #tpu.memory_space<vmem>>) target(%dma_start3A_90 : memref<10240x128xf32, #tpu.memory_space<vmem_shared>>) offsets(%dma_start3A_87 : memref<64xi32, #tpu.memory_space<vmem>>) semaphore(%arg14 : memref<!tpu.dma_semaphore, #tpu.memory_space<semaphore_mem>>) {add = true}
        %dma_wait3A_91 = arith.constant 0 : i32
        %dma_wait3A_92 = tpu.memref_slice %arg6[%add3A_49, %dma_wait3A_91] : memref<32x64xi32, #tpu.memory_space<vmem>> -> memref<1x64xi32, #tpu.memory_space<vmem>>
        %dma_wait3A_93 = tpu.memref_squeeze %dma_wait3A_92 : memref<1x64xi32, #tpu.memory_space<vmem>> -> memref<64xi32, #tpu.memory_space<vmem>>
        %dma_wait3A_94 = arith.constant 0 : i32
        %dma_wait3A_95 = arith.constant 0 : i32
        %dma_wait3A_96 = tpu.memref_slice %arg2[%dma_wait3A_94, %dma_wait3A_95] : memref<20480x128xf32, #tpu.memory_space<hbm>> -> memref<20480x128xf32, #tpu.memory_space<hbm>>
        tpu.wait_indirect_dma semaphore(%arg13 : memref<!tpu.dma_semaphore, #tpu.memory_space<semaphore_mem>>) src(%dma_wait3A_96 : memref<20480x128xf32, #tpu.memory_space<hbm>>) dst(%arg10 : memref<64x128xf32, #tpu.memory_space<vmem>>)
        %add3A_97 = arith.constant 2 : i32
        %add3A_98 = arith.addi %mul3A_32, %add3A_97 : i32
        %dma_start3A_99 = arith.constant 0 : i32
        %dma_start3A_100 = tpu.memref_slice %arg7[%add3A_98, %dma_start3A_99] : memref<32x64xi32, #tpu.memory_space<vmem>> -> memref<1x64xi32, #tpu.memory_space<vmem>>
        %dma_start3A_101 = tpu.memref_squeeze %dma_start3A_100 : memref<1x64xi32, #tpu.memory_space<vmem>> -> memref<64xi32, #tpu.memory_space<vmem>>
        %dma_start3A_102 = arith.constant 0 : i32
        %dma_start3A_103 = arith.constant 0 : i32
        %dma_start3A_104 = tpu.memref_slice %arg12[%dma_start3A_102, %dma_start3A_103] : memref<10240x128xf32, #tpu.memory_space<vmem_shared>> -> memref<10240x128xf32, #tpu.memory_space<vmem_shared>>
        tpu.enqueue_indirect_dma source(%arg10 : memref<64x128xf32, #tpu.memory_space<vmem>>) target(%dma_start3A_104 : memref<10240x128xf32, #tpu.memory_space<vmem_shared>>) offsets(%dma_start3A_101 : memref<64xi32, #tpu.memory_space<vmem>>) semaphore(%arg14 : memref<!tpu.dma_semaphore, #tpu.memory_space<semaphore_mem>>) {add = true}
        %dma_wait3A_105 = arith.constant 0 : i32
        %dma_wait3A_106 = tpu.memref_slice %arg6[%add3A_57, %dma_wait3A_105] : memref<32x64xi32, #tpu.memory_space<vmem>> -> memref<1x64xi32, #tpu.memory_space<vmem>>
        %dma_wait3A_107 = tpu.memref_squeeze %dma_wait3A_106 : memref<1x64xi32, #tpu.memory_space<vmem>> -> memref<64xi32, #tpu.memory_space<vmem>>
        %dma_wait3A_108 = arith.constant 0 : i32
        %dma_wait3A_109 = arith.constant 0 : i32
        %dma_wait3A_110 = tpu.memref_slice %arg2[%dma_wait3A_108, %dma_wait3A_109] : memref<20480x128xf32, #tpu.memory_space<hbm>> -> memref<20480x128xf32, #tpu.memory_space<hbm>>
        tpu.wait_indirect_dma semaphore(%arg13 : memref<!tpu.dma_semaphore, #tpu.memory_space<semaphore_mem>>) src(%dma_wait3A_110 : memref<20480x128xf32, #tpu.memory_space<hbm>>) dst(%arg11 : memref<64x128xf32, #tpu.memory_space<vmem>>)
        %add3A_111 = arith.constant 3 : i32
        %add3A_112 = arith.addi %mul3A_32, %add3A_111 : i32
        %dma_start3A_113 = arith.constant 0 : i32
        %dma_start3A_114 = tpu.memref_slice %arg7[%add3A_112, %dma_start3A_113] : memref<32x64xi32, #tpu.memory_space<vmem>> -> memref<1x64xi32, #tpu.memory_space<vmem>>
        %dma_start3A_115 = tpu.memref_squeeze %dma_start3A_114 : memref<1x64xi32, #tpu.memory_space<vmem>> -> memref<64xi32, #tpu.memory_space<vmem>>
        %dma_start3A_116 = arith.constant 0 : i32
        %dma_start3A_117 = arith.constant 0 : i32
        %dma_start3A_118 = tpu.memref_slice %arg12[%dma_start3A_116, %dma_start3A_117] : memref<10240x128xf32, #tpu.memory_space<vmem_shared>> -> memref<10240x128xf32, #tpu.memory_space<vmem_shared>>
        tpu.enqueue_indirect_dma source(%arg11 : memref<64x128xf32, #tpu.memory_space<vmem>>) target(%dma_start3A_118 : memref<10240x128xf32, #tpu.memory_space<vmem_shared>>) offsets(%dma_start3A_115 : memref<64xi32, #tpu.memory_space<vmem>>) semaphore(%arg14 : memref<!tpu.dma_semaphore, #tpu.memory_space<semaphore_mem>>) {add = true}
        %dma_wait3A_119 = arith.constant 0 : i32
        %dma_wait3A_120 = tpu.memref_slice %arg7[%add3A_70, %dma_wait3A_119] : memref<32x64xi32, #tpu.memory_space<vmem>> -> memref<1x64xi32, #tpu.memory_space<vmem>>
        %dma_wait3A_121 = tpu.memref_squeeze %dma_wait3A_120 : memref<1x64xi32, #tpu.memory_space<vmem>> -> memref<64xi32, #tpu.memory_space<vmem>>
        %dma_wait3A_122 = arith.constant 0 : i32
        %dma_wait3A_123 = arith.constant 0 : i32
        %dma_wait3A_124 = tpu.memref_slice %arg12[%dma_wait3A_122, %dma_wait3A_123] : memref<10240x128xf32, #tpu.memory_space<vmem_shared>> -> memref<10240x128xf32, #tpu.memory_space<vmem_shared>>
        tpu.wait_indirect_dma semaphore(%arg14 : memref<!tpu.dma_semaphore, #tpu.memory_space<semaphore_mem>>) src(%arg8 : memref<64x128xf32, #tpu.memory_space<vmem>>) dst(%dma_wait3A_124 : memref<10240x128xf32, #tpu.memory_space<vmem_shared>>)
        %dma_wait3A_125 = arith.constant 0 : i32
        %dma_wait3A_126 = tpu.memref_slice %arg7[%add3A_84, %dma_wait3A_125] : memref<32x64xi32, #tpu.memory_space<vmem>> -> memref<1x64xi32, #tpu.memory_space<vmem>>
        %dma_wait3A_127 = tpu.memref_squeeze %dma_wait3A_126 : memref<1x64xi32, #tpu.memory_space<vmem>> -> memref<64xi32, #tpu.memory_space<vmem>>
        %dma_wait3A_128 = arith.constant 0 : i32
        %dma_wait3A_129 = arith.constant 0 : i32
        %dma_wait3A_130 = tpu.memref_slice %arg12[%dma_wait3A_128, %dma_wait3A_129] : memref<10240x128xf32, #tpu.memory_space<vmem_shared>> -> memref<10240x128xf32, #tpu.memory_space<vmem_shared>>
        tpu.wait_indirect_dma semaphore(%arg14 : memref<!tpu.dma_semaphore, #tpu.memory_space<semaphore_mem>>) src(%arg9 : memref<64x128xf32, #tpu.memory_space<vmem>>) dst(%dma_wait3A_130 : memref<10240x128xf32, #tpu.memory_space<vmem_shared>>)
        %dma_wait3A_131 = arith.constant 0 : i32
        %dma_wait3A_132 = tpu.memref_slice %arg7[%add3A_98, %dma_wait3A_131] : memref<32x64xi32, #tpu.memory_space<vmem>> -> memref<1x64xi32, #tpu.memory_space<vmem>>
        %dma_wait3A_133 = tpu.memref_squeeze %dma_wait3A_132 : memref<1x64xi32, #tpu.memory_space<vmem>> -> memref<64xi32, #tpu.memory_space<vmem>>
        %dma_wait3A_134 = arith.constant 0 : i32
        %dma_wait3A_135 = arith.constant 0 : i32
        %dma_wait3A_136 = tpu.memref_slice %arg12[%dma_wait3A_134, %dma_wait3A_135] : memref<10240x128xf32, #tpu.memory_space<vmem_shared>> -> memref<10240x128xf32, #tpu.memory_space<vmem_shared>>
        tpu.wait_indirect_dma semaphore(%arg14 : memref<!tpu.dma_semaphore, #tpu.memory_space<semaphore_mem>>) src(%arg10 : memref<64x128xf32, #tpu.memory_space<vmem>>) dst(%dma_wait3A_136 : memref<10240x128xf32, #tpu.memory_space<vmem_shared>>)
        %dma_wait3A_137 = arith.constant 0 : i32
        %dma_wait3A_138 = tpu.memref_slice %arg7[%add3A_112, %dma_wait3A_137] : memref<32x64xi32, #tpu.memory_space<vmem>> -> memref<1x64xi32, #tpu.memory_space<vmem>>
        %dma_wait3A_139 = tpu.memref_squeeze %dma_wait3A_138 : memref<1x64xi32, #tpu.memory_space<vmem>> -> memref<64xi32, #tpu.memory_space<vmem>>
        %dma_wait3A_140 = arith.constant 0 : i32
        %dma_wait3A_141 = arith.constant 0 : i32
        %dma_wait3A_142 = tpu.memref_slice %arg12[%dma_wait3A_140, %dma_wait3A_141] : memref<10240x128xf32, #tpu.memory_space<vmem_shared>> -> memref<10240x128xf32, #tpu.memory_space<vmem_shared>>
        tpu.wait_indirect_dma semaphore(%arg14 : memref<!tpu.dma_semaphore, #tpu.memory_space<semaphore_mem>>) src(%arg11 : memref<64x128xf32, #tpu.memory_space<vmem>>) dst(%dma_wait3A_142 : memref<10240x128xf32, #tpu.memory_space<vmem_shared>>)
      }
      %scan3A_29 = arith.constant 8 : i32
    }
    %scan3A_12 = arith.constant 10 : i32
    %barrier3A_13 = arith.constant 0 : index
    tpu.barrier barrier_id(%barrier3A_13)
    %mul3A_14 = arith.constant 10240 : i32
    %mul3A_15 = arith.muli %arg0, %mul3A_14 : i32
    %add3A_16 = arith.addi %mul3A_15, %mul3A_0 : i32
    "tpu.region"() ({
      %run_scoped3A = tpu.sem_alloc : memref<!tpu.dma_semaphore, #tpu.memory_space<semaphore_mem>>
      %dma_start3A = arith.constant 0 : i32
      %dma_start3A_17 = tpu.memref_slice %arg5[%add3A_16, %dma_start3A] : memref<20480x128xf32, #tpu.memory_space<hbm>> -> memref<640x128xf32, #tpu.memory_space<hbm>>
      %dma_start3A_18 = arith.constant 0 : i32
      %dma_start3A_19 = tpu.memref_slice %arg12[%mul3A_0, %dma_start3A_18] : memref<10240x128xf32, #tpu.memory_space<vmem_shared>> -> memref<640x128xf32, #tpu.memory_space<vmem_shared>>
      tpu.enqueue_dma source(%dma_start3A_19 : memref<640x128xf32, #tpu.memory_space<vmem_shared>>) target(%dma_start3A_17 : memref<640x128xf32, #tpu.memory_space<hbm>>) target_semaphore(%run_scoped3A : memref<!tpu.dma_semaphore, #tpu.memory_space<semaphore_mem>>)
      %dma_wait3A = arith.constant 0 : i32
      %dma_wait3A_20 = tpu.memref_slice %arg5[%add3A_16, %dma_wait3A] : memref<20480x128xf32, #tpu.memory_space<hbm>> -> memref<640x128xf32, #tpu.memory_space<hbm>>
      %dma_wait3A_21 = arith.constant 0 : i32
      %dma_wait3A_22 = tpu.memref_slice %arg12[%mul3A_0, %dma_wait3A_21] : memref<10240x128xf32, #tpu.memory_space<vmem_shared>> -> memref<640x128xf32, #tpu.memory_space<vmem_shared>>
      tpu.wait_dma2 semaphore(%run_scoped3A : memref<!tpu.dma_semaphore, #tpu.memory_space<semaphore_mem>>) src(%dma_wait3A_22 : memref<640x128xf32, #tpu.memory_space<vmem_shared>>) dst(%dma_wait3A_20 : memref<640x128xf32, #tpu.memory_space<hbm>>)
      tpu.yield
    }) : () -> ()
    return
  }
}

module attributes {stable_mosaic.version = 14 : i64} {
  func.func @_dense1_body(%arg0: i32, %arg1: memref<2x1000x128xf32, #tpu.memory_space<vmem>>, %arg2: memref<2x128x256xf32, #tpu.memory_space<vmem>>, %arg3: memref<1x256xf32, #tpu.memory_space<vmem>>, %arg4: memref<1000x256xf32, #tpu.memory_space<vmem>>, %arg5: memref<2x256xf32, #tpu.memory_space<vmem>>, %arg6: memref<1x256xf32, #tpu.memory_space<vmem>>, %arg7: memref<1x256xf32, #tpu.memory_space<vmem>>) attributes {dimension_semantics = [#tpu.dimension_semantics<arbitrary>], iteration_bounds = array<i64: 10>, scalar_prefetch = 0 : i64, scratch_operands = 2 : i64, tpu.core_type = #tpu.core_type<tc>, window_params = [{transform_indices = @transform_0, window_bounds = array<i64: 2, 1000, 128>}, {pipeline_mode = #tpu.pipeline_mode<synchronous>, transform_indices = @transform_1, window_bounds = array<i64: 2, 128, 256>}, {pipeline_mode = #tpu.pipeline_mode<synchronous>, transform_indices = @transform_2, window_bounds = array<i64: 1, 256>}, {transform_indices = @transform_3, window_bounds = array<i64: 1000, 256>}, {pipeline_mode = #tpu.pipeline_mode<synchronous>, transform_indices = @transform_4, window_bounds = array<i64: 2, 256>}]} {
    %get3A = arith.constant 0 : index
    %get3A_0 = arith.constant 0 : index
    %get3A_1 = arith.constant 0 : index
    %get3A_2 = vector.load %arg1[%get3A, %get3A_0, %get3A_1] : memref<2x1000x128xf32, #tpu.memory_space<vmem>>, vector<1x1000x128xf32>
    %get3A_3 = vector.shape_cast %get3A_2 : vector<1x1000x128xf32> to vector<1000x128xf32>
    %get3A_4 = arith.constant 0 : index
    %get3A_5 = arith.constant 0 : index
    %get3A_6 = arith.constant 0 : index
    %get3A_7 = vector.load %arg2[%get3A_4, %get3A_5, %get3A_6] : memref<2x128x256xf32, #tpu.memory_space<vmem>>, vector<1x128x256xf32>
    %get3A_8 = vector.shape_cast %get3A_7 : vector<1x128x256xf32> to vector<128x256xf32>
    %dot_general3A = arith.constant dense<0.000000e+00> : vector<1000x256xf32>
    %dot_general3A_9 = tpu.matmul %get3A_3, %get3A_8, %dot_general3A {dimension_numbers = #tpu.dot_dimension_numbers<[1], [0], [0], [1], [0, 0, 1, 1], [], []>, transpose_lhs_hint = false} : vector<1000x128xf32>, vector<128x256xf32>, vector<1000x256xf32> -> vector<1000x256xf32>
    %get3A_10 = arith.constant 1 : index
    %get3A_11 = arith.constant 0 : index
    %get3A_12 = arith.constant 0 : index
    %get3A_13 = vector.load %arg1[%get3A_10, %get3A_11, %get3A_12] : memref<2x1000x128xf32, #tpu.memory_space<vmem>>, vector<1x1000x128xf32>
    %get3A_14 = vector.shape_cast %get3A_13 : vector<1x1000x128xf32> to vector<1000x128xf32>
    %get3A_15 = arith.constant 1 : index
    %get3A_16 = arith.constant 0 : index
    %get3A_17 = arith.constant 0 : index
    %get3A_18 = vector.load %arg2[%get3A_15, %get3A_16, %get3A_17] : memref<2x128x256xf32, #tpu.memory_space<vmem>>, vector<1x128x256xf32>
    %get3A_19 = vector.shape_cast %get3A_18 : vector<1x128x256xf32> to vector<128x256xf32>
    %dot_general3A_20 = arith.constant dense<0.000000e+00> : vector<1000x256xf32>
    %dot_general3A_21 = tpu.matmul %get3A_14, %get3A_19, %dot_general3A_20 {dimension_numbers = #tpu.dot_dimension_numbers<[1], [0], [0], [1], [0, 0, 1, 1], [], []>, transpose_lhs_hint = false} : vector<1000x128xf32>, vector<128x256xf32>, vector<1000x256xf32> -> vector<1000x256xf32>
    %add3A = arith.addf %dot_general3A_9, %dot_general3A_21 : vector<1000x256xf32>
    %get3A_22 = arith.constant 0 : index
    %get3A_23 = arith.constant 0 : index
    %get3A_24 = vector.load %arg3[%get3A_22, %get3A_23] : memref<1x256xf32, #tpu.memory_space<vmem>>, vector<1x256xf32>
    %add3A_25 = vector.broadcast %get3A_24 : vector<1x256xf32> to vector<1000x256xf32>
    %add3A_26 = arith.addf %add3A, %add3A_25 : vector<1000x256xf32>
    %swap3A = arith.constant 0 : index
    %swap3A_27 = arith.constant 0 : index
    %swap3A_28 = vector.load %arg4[%swap3A, %swap3A_27] : memref<1000x256xf32, #tpu.memory_space<vmem>>, vector<1000x256xf32>
    tpu.vector_store %arg4[%swap3A, %swap3A_27], %add3A_26 {strides = array<i32>} : memref<1000x256xf32, #tpu.memory_space<vmem>>, vector<1000x256xf32>,
    %eq3A = arith.constant 0 : i32
    %eq3A_29 = arith.cmpi eq, %arg0, %eq3A : i32
    %convert_element_type3A = arith.extui %eq3A_29 : i1 to i32
    %cond3A = arith.constant 0 : i32
    %cond3A_30 = arith.cmpi ne, %convert_element_type3A, %cond3A : i32
    scf.if %cond3A_30 {
      %broadcast_in_dim3A_54 = arith.constant 0.000000e+00 : f32
      %broadcast_in_dim3A_55 = vector.broadcast %broadcast_in_dim3A_54 : f32 to vector<1x256xf32>
      %swap3A_56 = arith.constant 0 : index
      %swap3A_57 = arith.constant 0 : index
      %swap3A_58 = vector.load %arg6[%swap3A_56, %swap3A_57] : memref<1x256xf32, #tpu.memory_space<vmem>>, vector<1x256xf32>
      tpu.vector_store %arg6[%swap3A_56, %swap3A_57], %broadcast_in_dim3A_55 {strides = array<i32>} : memref<1x256xf32, #tpu.memory_space<vmem>>, vector<1x256xf32>,
      %broadcast_in_dim3A_59 = arith.constant 0.000000e+00 : f32
      %broadcast_in_dim3A_60 = vector.broadcast %broadcast_in_dim3A_59 : f32 to vector<1x256xf32>
      %swap3A_61 = arith.constant 0 : index
      %swap3A_62 = arith.constant 0 : index
      %swap3A_63 = vector.load %arg7[%swap3A_61, %swap3A_62] : memref<1x256xf32, #tpu.memory_space<vmem>>, vector<1x256xf32>
      tpu.vector_store %arg7[%swap3A_61, %swap3A_62], %broadcast_in_dim3A_60 {strides = array<i32>} : memref<1x256xf32, #tpu.memory_space<vmem>>, vector<1x256xf32>,
    } else {
    }
    %get3A_31 = arith.constant 0 : index
    %get3A_32 = arith.constant 0 : index
    %get3A_33 = vector.load %arg6[%get3A_31, %get3A_32] : memref<1x256xf32, #tpu.memory_space<vmem>>, vector<1x256xf32>
    %reduce_sum3A = arith.constant dense<0.000000e+00> : vector<256xf32>
    %reduce_sum3A_34 = vector.multi_reduction <add>, %add3A_26, %reduce_sum3A [0] : vector<1000x256xf32> to vector<256xf32>
    %broadcast_in_dim3A = vector.shape_cast %reduce_sum3A_34 : vector<256xf32> to vector<1x256xf32>
    %add3A_35 = arith.addf %get3A_33, %broadcast_in_dim3A : vector<1x256xf32>
    %swap3A_36 = arith.constant 0 : index
    %swap3A_37 = arith.constant 0 : index
    %swap3A_38 = vector.load %arg6[%swap3A_36, %swap3A_37] : memref<1x256xf32, #tpu.memory_space<vmem>>, vector<1x256xf32>
    tpu.vector_store %arg6[%swap3A_36, %swap3A_37], %add3A_35 {strides = array<i32>} : memref<1x256xf32, #tpu.memory_space<vmem>>, vector<1x256xf32>,
    %get3A_39 = arith.constant 0 : index
    %get3A_40 = arith.constant 0 : index
    %get3A_41 = vector.load %arg7[%get3A_39, %get3A_40] : memref<1x256xf32, #tpu.memory_space<vmem>>, vector<1x256xf32>
    %mul3A = arith.mulf %add3A_26, %add3A_26 : vector<1000x256xf32>
    %reduce_sum3A_42 = arith.constant dense<0.000000e+00> : vector<256xf32>
    %reduce_sum3A_43 = vector.multi_reduction <add>, %mul3A, %reduce_sum3A_42 [0] : vector<1000x256xf32> to vector<256xf32>
    %broadcast_in_dim3A_44 = vector.shape_cast %reduce_sum3A_43 : vector<256xf32> to vector<1x256xf32>
    %add3A_45 = arith.addf %get3A_41, %broadcast_in_dim3A_44 : vector<1x256xf32>
    %swap3A_46 = arith.constant 0 : index
    %swap3A_47 = arith.constant 0 : index
    %swap3A_48 = vector.load %arg7[%swap3A_46, %swap3A_47] : memref<1x256xf32, #tpu.memory_space<vmem>>, vector<1x256xf32>
    tpu.vector_store %arg7[%swap3A_46, %swap3A_47], %add3A_45 {strides = array<i32>} : memref<1x256xf32, #tpu.memory_space<vmem>>, vector<1x256xf32>,
    %eq3A_49 = arith.constant 9 : i32
    %eq3A_50 = arith.cmpi eq, %arg0, %eq3A_49 : i32
    %convert_element_type3A_51 = arith.extui %eq3A_50 : i1 to i32
    %cond3A_52 = arith.constant 0 : i32
    %cond3A_53 = arith.cmpi ne, %convert_element_type3A_51, %cond3A_52 : i32
    scf.if %cond3A_53 {
      %get3A_54 = arith.constant 0 : index
      %get3A_55 = arith.constant 0 : index
      %get3A_56 = vector.load %arg6[%get3A_54, %get3A_55] : memref<1x256xf32, #tpu.memory_space<vmem>>, vector<1x256xf32>
      %get3A_57 = arith.constant 0 : index
      %get3A_58 = arith.constant 0 : index
      %get3A_59 = vector.load %arg7[%get3A_57, %get3A_58] : memref<1x256xf32, #tpu.memory_space<vmem>>, vector<1x256xf32>
      %concatenate3A = tpu.concatenate %get3A_56, %get3A_59 in 0 : vector<1x256xf32>, vector<1x256xf32> -> vector<2x256xf32>
      %swap3A_60 = arith.constant 0 : index
      %swap3A_61 = arith.constant 0 : index
      %swap3A_62 = vector.load %arg5[%swap3A_60, %swap3A_61] : memref<2x256xf32, #tpu.memory_space<vmem>>, vector<2x256xf32>
      tpu.vector_store %arg5[%swap3A_60, %swap3A_61], %concatenate3A {strides = array<i32>} : memref<2x256xf32, #tpu.memory_space<vmem>>, vector<2x256xf32>,
    } else {
    }
    return
  }
  func.func @transform_0(%arg0: i32) -> (i32, i32, i32) {
    %c0_i32 = arith.constant 0 : i32
    %c0_i32_0 = arith.constant 0 : i32
    %c0_i32_1 = arith.constant 0 : i32
    return %c0_i32, %arg0, %c0_i32_0 : i32, i32, i32
  }
  func.func @transform_1(%arg0: i32) -> (i32, i32, i32) {
    %c0_i32 = arith.constant 0 : i32
    %c0_i32_0 = arith.constant 0 : i32
    %c0_i32_1 = arith.constant 0 : i32
    %c0_i32_2 = arith.constant 0 : i32
    return %c0_i32, %c0_i32_0, %c0_i32_1 : i32, i32, i32
  }
  func.func @transform_2(%arg0: i32) -> (i32, i32) {
    %c0_i32 = arith.constant 0 : i32
    %c0_i32_0 = arith.constant 0 : i32
    %c0_i32_1 = arith.constant 0 : i32
    return %c0_i32, %c0_i32_0 : i32, i32
  }
  func.func @transform_3(%arg0: i32) -> (i32, i32) {
    %c0_i32 = arith.constant 0 : i32
    %c0_i32_0 = arith.constant 0 : i32
    return %arg0, %c0_i32 : i32, i32
  }
  func.func @transform_4(%arg0: i32) -> (i32, i32) {
    %c0_i32 = arith.constant 0 : i32
    %c0_i32_0 = arith.constant 0 : i32
    %c0_i32_1 = arith.constant 0 : i32
    return %c0_i32, %c0_i32_0 : i32, i32
  }
}

module attributes {stable_mosaic.version = 14 : i64} {
  func.func @_dense2_body(%arg0: i32, %arg1: memref<1000x256xf32, #tpu.memory_space<vmem>>, %arg2: memref<2x256xf32, #tpu.memory_space<vmem>>, %arg3: memref<1x256xf32, #tpu.memory_space<vmem>>, %arg4: memref<1x256xf32, #tpu.memory_space<vmem>>, %arg5: memref<256x256xf32, #tpu.memory_space<vmem>>, %arg6: memref<1x256xf32, #tpu.memory_space<vmem>>, %arg7: memref<2x1000x128xf32, #tpu.memory_space<vmem>>) attributes {dimension_semantics = [#tpu.dimension_semantics<arbitrary>], iteration_bounds = array<i64: 10>, scalar_prefetch = 0 : i64, scratch_operands = 0 : i64, tpu.core_type = #tpu.core_type<tc>, window_params = [{transform_indices = @transform_0, window_bounds = array<i64: 1000, 256>}, {pipeline_mode = #tpu.pipeline_mode<synchronous>, transform_indices = @transform_1, window_bounds = array<i64: 2, 256>}, {pipeline_mode = #tpu.pipeline_mode<synchronous>, transform_indices = @transform_2, window_bounds = array<i64: 1, 256>}, {pipeline_mode = #tpu.pipeline_mode<synchronous>, transform_indices = @transform_3, window_bounds = array<i64: 1, 256>}, {pipeline_mode = #tpu.pipeline_mode<synchronous>, transform_indices = @transform_4, window_bounds = array<i64: 256, 256>}, {pipeline_mode = #tpu.pipeline_mode<synchronous>, transform_indices = @transform_5, window_bounds = array<i64: 1, 256>}, {transform_indices = @transform_6, window_bounds = array<i64: 2, 1000, 128>}]} {
    %get3A = arith.constant 0 : index
    %get3A_0 = arith.constant 0 : index
    %get3A_1 = vector.load %arg1[%get3A, %get3A_0] : memref<1000x256xf32, #tpu.memory_space<vmem>>, vector<1000x256xf32>
    %get3A_2 = arith.constant 0 : index
    %get3A_3 = arith.constant 0 : index
    %get3A_4 = vector.load %arg2[%get3A_2, %get3A_3] : memref<2x256xf32, #tpu.memory_space<vmem>>, vector<1x256xf32>
    %get3A_5 = arith.constant 1 : index
    %get3A_6 = arith.constant 0 : index
    %get3A_7 = vector.load %arg2[%get3A_5, %get3A_6] : memref<2x256xf32, #tpu.memory_space<vmem>>, vector<1x256xf32>
    %div3A = arith.constant 1.000000e+04 : f32
    %div3A_8 = vector.broadcast %div3A : f32 to vector<1x256xf32>
    %div3A_9 = arith.divf %get3A_4, %div3A_8 : vector<1x256xf32>
    %div3A_10 = arith.constant 1.000000e+04 : f32
    %div3A_11 = vector.broadcast %div3A_10 : f32 to vector<1x256xf32>
    %div3A_12 = arith.divf %get3A_7, %div3A_11 : vector<1x256xf32>
    %mul3A = arith.mulf %div3A_9, %div3A_9 : vector<1x256xf32>
    %sub3A = arith.subf %div3A_12, %mul3A : vector<1x256xf32>
    %add3A = arith.constant 9.99999974E-6 : f32
    %add3A_13 = vector.broadcast %add3A : f32 to vector<1x256xf32>
    %add3A_14 = arith.addf %sub3A, %add3A_13 : vector<1x256xf32>
    %rsqrt3A = math.rsqrt %add3A_14 : vector<1x256xf32>
    %sub3A_15 = vector.broadcast %div3A_9 : vector<1x256xf32> to vector<1000x256xf32>
    %sub3A_16 = arith.subf %get3A_1, %sub3A_15 : vector<1000x256xf32>
    %mul3A_17 = vector.broadcast %rsqrt3A : vector<1x256xf32> to vector<1000x256xf32>
    %mul3A_18 = arith.mulf %sub3A_16, %mul3A_17 : vector<1000x256xf32>
    %get3A_19 = arith.constant 0 : index
    %get3A_20 = arith.constant 0 : index
    %get3A_21 = vector.load %arg3[%get3A_19, %get3A_20] : memref<1x256xf32, #tpu.memory_space<vmem>>, vector<1x256xf32>
    %mul3A_22 = vector.broadcast %get3A_21 : vector<1x256xf32> to vector<1000x256xf32>
    %mul3A_23 = arith.mulf %mul3A_18, %mul3A_22 : vector<1000x256xf32>
    %get3A_24 = arith.constant 0 : index
    %get3A_25 = arith.constant 0 : index
    %get3A_26 = vector.load %arg4[%get3A_24, %get3A_25] : memref<1x256xf32, #tpu.memory_space<vmem>>, vector<1x256xf32>
    %add3A_27 = vector.broadcast %get3A_26 : vector<1x256xf32> to vector<1000x256xf32>
    %add3A_28 = arith.addf %mul3A_23, %add3A_27 : vector<1000x256xf32>
    %max3A = arith.constant 0.000000e+00 : f32
    %max3A_29 = vector.broadcast %max3A : f32 to vector<1000x256xf32>
    %max3A_30 = arith.maximumf %add3A_28, %max3A_29 : vector<1000x256xf32>
    %get3A_31 = arith.constant 0 : index
    %get3A_32 = arith.constant 0 : index
    %get3A_33 = vector.load %arg5[%get3A_31, %get3A_32] : memref<256x256xf32, #tpu.memory_space<vmem>>, vector<256x256xf32>
    %dot_general3A = arith.constant dense<0.000000e+00> : vector<1000x256xf32>
    %dot_general3A_34 = tpu.matmul %max3A_30, %get3A_33, %dot_general3A {dimension_numbers = #tpu.dot_dimension_numbers<[1], [0], [0], [1], [0, 0, 1, 1], [], []>, transpose_lhs_hint = false} : vector<1000x256xf32>, vector<256x256xf32>, vector<1000x256xf32> -> vector<1000x256xf32>
    %get3A_35 = arith.constant 0 : index
    %get3A_36 = arith.constant 0 : index
    %get3A_37 = vector.load %arg6[%get3A_35, %get3A_36] : memref<1x256xf32, #tpu.memory_space<vmem>>, vector<1x256xf32>
    %add3A_38 = vector.broadcast %get3A_37 : vector<1x256xf32> to vector<1000x256xf32>
    %add3A_39 = arith.addf %dot_general3A_34, %add3A_38 : vector<1000x256xf32>
    %max3A_40 = arith.constant 0.000000e+00 : f32
    %max3A_41 = vector.broadcast %max3A_40 : f32 to vector<1000x256xf32>
    %max3A_42 = arith.maximumf %add3A_39, %max3A_41 : vector<1000x256xf32>
    %slice3A = vector.extract_strided_slice %max3A_42 {offsets = [0, 0], sizes = [1000, 128], strides = [1, 1]} : vector<1000x256xf32> to vector<1000x128xf32>
    %swap3A = arith.constant 0 : index
    %swap3A_43 = arith.constant 0 : index
    %swap3A_44 = arith.constant 0 : index
    %swap3A_45 = vector.load %arg7[%swap3A, %swap3A_43, %swap3A_44] : memref<2x1000x128xf32, #tpu.memory_space<vmem>>, vector<1x1000x128xf32>
    %swap3A_46 = vector.shape_cast %swap3A_45 : vector<1x1000x128xf32> to vector<1000x128xf32>
    %swap3A_47 = vector.shape_cast %slice3A : vector<1000x128xf32> to vector<1x1000x128xf32>
    tpu.vector_store %arg7[%swap3A, %swap3A_43, %swap3A_44], %swap3A_47 {strides = array<i32>} : memref<2x1000x128xf32, #tpu.memory_space<vmem>>, vector<1x1000x128xf32>,
    %slice3A_48 = vector.extract_strided_slice %max3A_42 {offsets = [0, 128], sizes = [1000, 128], strides = [1, 1]} : vector<1000x256xf32> to vector<1000x128xf32>
    %swap3A_49 = arith.constant 1 : index
    %swap3A_50 = arith.constant 0 : index
    %swap3A_51 = arith.constant 0 : index
    %swap3A_52 = vector.load %arg7[%swap3A_49, %swap3A_50, %swap3A_51] : memref<2x1000x128xf32, #tpu.memory_space<vmem>>, vector<1x1000x128xf32>
    %swap3A_53 = vector.shape_cast %swap3A_52 : vector<1x1000x128xf32> to vector<1000x128xf32>
    %swap3A_54 = vector.shape_cast %slice3A_48 : vector<1000x128xf32> to vector<1x1000x128xf32>
    tpu.vector_store %arg7[%swap3A_49, %swap3A_50, %swap3A_51], %swap3A_54 {strides = array<i32>} : memref<2x1000x128xf32, #tpu.memory_space<vmem>>, vector<1x1000x128xf32>,
    return
  }
  func.func @transform_0(%arg0: i32) -> (i32, i32) {
    %c0_i32 = arith.constant 0 : i32
    %c0_i32_0 = arith.constant 0 : i32
    return %arg0, %c0_i32 : i32, i32
  }
  func.func @transform_1(%arg0: i32) -> (i32, i32) {
    %c0_i32 = arith.constant 0 : i32
    %c0_i32_0 = arith.constant 0 : i32
    %c0_i32_1 = arith.constant 0 : i32
    return %c0_i32, %c0_i32_0 : i32, i32
  }
  func.func @transform_2(%arg0: i32) -> (i32, i32) {
    %c0_i32 = arith.constant 0 : i32
    %c0_i32_0 = arith.constant 0 : i32
    %c0_i32_1 = arith.constant 0 : i32
    return %c0_i32, %c0_i32_0 : i32, i32
  }
  func.func @transform_3(%arg0: i32) -> (i32, i32) {
    %c0_i32 = arith.constant 0 : i32
    %c0_i32_0 = arith.constant 0 : i32
    %c0_i32_1 = arith.constant 0 : i32
    return %c0_i32, %c0_i32_0 : i32, i32
  }
  func.func @transform_4(%arg0: i32) -> (i32, i32) {
    %c0_i32 = arith.constant 0 : i32
    %c0_i32_0 = arith.constant 0 : i32
    %c0_i32_1 = arith.constant 0 : i32
    return %c0_i32, %c0_i32_0 : i32, i32
  }
  func.func @transform_5(%arg0: i32) -> (i32, i32) {
    %c0_i32 = arith.constant 0 : i32
    %c0_i32_0 = arith.constant 0 : i32
    %c0_i32_1 = arith.constant 0 : i32
    return %c0_i32, %c0_i32_0 : i32, i32
  }
  func.func @transform_6(%arg0: i32) -> (i32, i32, i32) {
    %c0_i32 = arith.constant 0 : i32
    %c0_i32_0 = arith.constant 0 : i32
    %c0_i32_1 = arith.constant 0 : i32
    return %c0_i32, %arg0, %c0_i32_0 : i32, i32, i32
  }
}

module attributes {stable_mosaic.version = 14 : i64} {
  func.func @_pool_body(%arg0: i32, %arg1: memref<2x1000x128xf32, #tpu.memory_space<vmem>>, %arg2: memref<1x1x1000xi32, #tpu.memory_space<vmem>>, %arg3: memref<256x256xf32, #tpu.memory_space<vmem>>, %arg4: memref<1x256xf32, #tpu.memory_space<vmem>>, %arg5: memref<256x64xf32, #tpu.memory_space<vmem>>, %arg6: memref<1x64xf32, #tpu.memory_space<vmem>>, %arg7: memref<64x64xf32, #tpu.memory_space<vmem>>, %arg8: memref<64x256xf32, #tpu.memory_space<vmem>>) attributes {dimension_semantics = [#tpu.dimension_semantics<arbitrary>], iteration_bounds = array<i64: 10>, scalar_prefetch = 0 : i64, scratch_operands = 1 : i64, tpu.core_type = #tpu.core_type<tc>, window_params = [{transform_indices = @transform_0, window_bounds = array<i64: 2, 1000, 128>}, {transform_indices = @transform_1, window_bounds = array<i64: 1, 1, 1000>}, {pipeline_mode = #tpu.pipeline_mode<synchronous>, transform_indices = @transform_2, window_bounds = array<i64: 256, 256>}, {pipeline_mode = #tpu.pipeline_mode<synchronous>, transform_indices = @transform_3, window_bounds = array<i64: 1, 256>}, {pipeline_mode = #tpu.pipeline_mode<synchronous>, transform_indices = @transform_4, window_bounds = array<i64: 256, 64>}, {pipeline_mode = #tpu.pipeline_mode<synchronous>, transform_indices = @transform_5, window_bounds = array<i64: 1, 64>}, {pipeline_mode = #tpu.pipeline_mode<synchronous>, transform_indices = @transform_6, window_bounds = array<i64: 64, 64>}]} {
    %eq3A = arith.constant 0 : i32
    %eq3A_0 = arith.cmpi eq, %arg0, %eq3A : i32
    %convert_element_type3A = arith.extui %eq3A_0 : i1 to i32
    %cond3A = arith.constant 0 : i32
    %cond3A_1 = arith.cmpi ne, %convert_element_type3A, %cond3A : i32
    scf.if %cond3A_1 {
      %broadcast_in_dim3A = arith.constant 0.000000e+00 : f32
      %broadcast_in_dim3A_31 = vector.broadcast %broadcast_in_dim3A : f32 to vector<64x256xf32>
      %swap3A_32 = arith.constant 0 : index
      %swap3A_33 = arith.constant 0 : index
      %swap3A_34 = vector.load %arg8[%swap3A_32, %swap3A_33] : memref<64x256xf32, #tpu.memory_space<vmem>>, vector<64x256xf32>
      tpu.vector_store %arg8[%swap3A_32, %swap3A_33], %broadcast_in_dim3A_31 {strides = array<i32>} : memref<64x256xf32, #tpu.memory_space<vmem>>, vector<64x256xf32>,
    } else {
    }
    %get3A = arith.constant 0 : index
    %get3A_2 = arith.constant 0 : index
    %get3A_3 = arith.constant 0 : index
    %get3A_4 = vector.load %arg2[%get3A, %get3A_2, %get3A_3] : memref<1x1x1000xi32, #tpu.memory_space<vmem>>, vector<1x1x1000xi32>
    %get3A_5 = vector.shape_cast %get3A_4 : vector<1x1x1000xi32> to vector<1x1000xi32>
    %iota3A = tpu.iota {dimensions = array<i32: 0>} : vector<64x1000xi32>
    %eq3A_6 = vector.broadcast %get3A_5 : vector<1x1000xi32> to vector<64x1000xi32>
    %eq3A_7 = arith.cmpi eq, %iota3A, %eq3A_6 : vector<64x1000xi32>
    %convert_element_type3A_8 = arith.extui %eq3A_7 : vector<64x1000xi1> to vector<64x1000xi32>
    %convert_element_type3A_9 = arith.sitofp %convert_element_type3A_8 : vector<64x1000xi32> to vector<64x1000xf32>
    %get3A_10 = arith.constant 0 : index
    %get3A_11 = arith.constant 0 : index
    %get3A_12 = arith.constant 0 : index
    %get3A_13 = vector.load %arg1[%get3A_10, %get3A_11, %get3A_12] : memref<2x1000x128xf32, #tpu.memory_space<vmem>>, vector<1x1000x128xf32>
    %get3A_14 = vector.shape_cast %get3A_13 : vector<1x1000x128xf32> to vector<1000x128xf32>
    %get3A_15 = arith.constant 1 : index
    %get3A_16 = arith.constant 0 : index
    %get3A_17 = arith.constant 0 : index
    %get3A_18 = vector.load %arg1[%get3A_15, %get3A_16, %get3A_17] : memref<2x1000x128xf32, #tpu.memory_space<vmem>>, vector<1x1000x128xf32>
    %get3A_19 = vector.shape_cast %get3A_18 : vector<1x1000x128xf32> to vector<1000x128xf32>
    %concatenate3A = tpu.concatenate %get3A_14, %get3A_19 in 1 : vector<1000x128xf32>, vector<1000x128xf32> -> vector<1000x256xf32>
    %get3A_20 = arith.constant 0 : index
    %get3A_21 = arith.constant 0 : index
    %get3A_22 = vector.load %arg8[%get3A_20, %get3A_21] : memref<64x256xf32, #tpu.memory_space<vmem>>, vector<64x256xf32>
    %dot_general3A = arith.constant dense<0.000000e+00> : vector<64x256xf32>
    %dot_general3A_23 = tpu.matmul %convert_element_type3A_9, %concatenate3A, %dot_general3A {dimension_numbers = #tpu.dot_dimension_numbers<[1], [0], [0], [1], [0, 0, 1, 1], [], []>, transpose_lhs_hint = false} : vector<64x1000xf32>, vector<1000x256xf32>, vector<64x256xf32> -> vector<64x256xf32>
    %add3A = arith.addf %get3A_22, %dot_general3A_23 : vector<64x256xf32>
    %swap3A = arith.constant 0 : index
    %swap3A_24 = arith.constant 0 : index
    %swap3A_25 = vector.load %arg8[%swap3A, %swap3A_24] : memref<64x256xf32, #tpu.memory_space<vmem>>, vector<64x256xf32>
    tpu.vector_store %arg8[%swap3A, %swap3A_24], %add3A {strides = array<i32>} : memref<64x256xf32, #tpu.memory_space<vmem>>, vector<64x256xf32>,
    %eq3A_26 = arith.constant 9 : i32
    %eq3A_27 = arith.cmpi eq, %arg0, %eq3A_26 : i32
    %convert_element_type3A_28 = arith.extui %eq3A_27 : i1 to i32
    %cond3A_29 = arith.constant 0 : i32
    %cond3A_30 = arith.cmpi ne, %convert_element_type3A_28, %cond3A_29 : i32
    scf.if %cond3A_30 {
      %get3A_31 = arith.constant 0 : index
      %get3A_32 = arith.constant 0 : index
      %get3A_33 = vector.load %arg8[%get3A_31, %get3A_32] : memref<64x256xf32, #tpu.memory_space<vmem>>, vector<64x256xf32>
      %get3A_34 = arith.constant 0 : index
      %get3A_35 = arith.constant 0 : index
      %get3A_36 = vector.load %arg3[%get3A_34, %get3A_35] : memref<256x256xf32, #tpu.memory_space<vmem>>, vector<256x256xf32>
      %dot_general3A_37 = arith.constant dense<0.000000e+00> : vector<64x256xf32>
      %dot_general3A_38 = tpu.matmul %get3A_33, %get3A_36, %dot_general3A_37 {dimension_numbers = #tpu.dot_dimension_numbers<[1], [0], [0], [1], [0, 0, 1, 1], [], []>, transpose_lhs_hint = false} : vector<64x256xf32>, vector<256x256xf32>, vector<64x256xf32> -> vector<64x256xf32>
      %get3A_39 = arith.constant 0 : index
      %get3A_40 = arith.constant 0 : index
      %get3A_41 = vector.load %arg4[%get3A_39, %get3A_40] : memref<1x256xf32, #tpu.memory_space<vmem>>, vector<1x256xf32>
      %add3A_42 = vector.broadcast %get3A_41 : vector<1x256xf32> to vector<64x256xf32>
      %add3A_43 = arith.addf %dot_general3A_38, %add3A_42 : vector<64x256xf32>
      %max3A = arith.constant 0.000000e+00 : f32
      %max3A_44 = vector.broadcast %max3A : f32 to vector<64x256xf32>
      %max3A_45 = arith.maximumf %add3A_43, %max3A_44 : vector<64x256xf32>
      %get3A_46 = arith.constant 0 : index
      %get3A_47 = arith.constant 0 : index
      %get3A_48 = vector.load %arg5[%get3A_46, %get3A_47] : memref<256x64xf32, #tpu.memory_space<vmem>>, vector<256x64xf32>
      %dot_general3A_49 = arith.constant dense<0.000000e+00> : vector<64x64xf32>
      %dot_general3A_50 = tpu.matmul %max3A_45, %get3A_48, %dot_general3A_49 {dimension_numbers = #tpu.dot_dimension_numbers<[1], [0], [0], [1], [0, 0, 1, 1], [], []>, transpose_lhs_hint = false} : vector<64x256xf32>, vector<256x64xf32>, vector<64x64xf32> -> vector<64x64xf32>
      %get3A_51 = arith.constant 0 : index
      %get3A_52 = arith.constant 0 : index
      %get3A_53 = vector.load %arg6[%get3A_51, %get3A_52] : memref<1x64xf32, #tpu.memory_space<vmem>>, vector<1x64xf32>
      %add3A_54 = vector.broadcast %get3A_53 : vector<1x64xf32> to vector<64x64xf32>
      %add3A_55 = arith.addf %dot_general3A_50, %add3A_54 : vector<64x64xf32>
      %swap3A_56 = arith.constant 0 : index
      %swap3A_57 = arith.constant 0 : index
      %swap3A_58 = vector.load %arg7[%swap3A_56, %swap3A_57] : memref<64x64xf32, #tpu.memory_space<vmem>>, vector<64x64xf32>
      tpu.vector_store %arg7[%swap3A_56, %swap3A_57], %add3A_55 {strides = array<i32>} : memref<64x64xf32, #tpu.memory_space<vmem>>, vector<64x64xf32>,
    } else {
    }
    return
  }
  func.func @transform_0(%arg0: i32) -> (i32, i32, i32) {
    %c0_i32 = arith.constant 0 : i32
    %c0_i32_0 = arith.constant 0 : i32
    %c0_i32_1 = arith.constant 0 : i32
    return %c0_i32, %arg0, %c0_i32_0 : i32, i32, i32
  }
  func.func @transform_1(%arg0: i32) -> (i32, i32, i32) {
    %c0_i32 = arith.constant 0 : i32
    %c0_i32_0 = arith.constant 0 : i32
    %c0_i32_1 = arith.constant 0 : i32
    return %arg0, %c0_i32, %c0_i32_0 : i32, i32, i32
  }
  func.func @transform_2(%arg0: i32) -> (i32, i32) {
    %c0_i32 = arith.constant 0 : i32
    %c0_i32_0 = arith.constant 0 : i32
    %c0_i32_1 = arith.constant 0 : i32
    return %c0_i32, %c0_i32_0 : i32, i32
  }
  func.func @transform_3(%arg0: i32) -> (i32, i32) {
    %c0_i32 = arith.constant 0 : i32
    %c0_i32_0 = arith.constant 0 : i32
    %c0_i32_1 = arith.constant 0 : i32
    return %c0_i32, %c0_i32_0 : i32, i32
  }
  func.func @transform_4(%arg0: i32) -> (i32, i32) {
    %c0_i32 = arith.constant 0 : i32
    %c0_i32_0 = arith.constant 0 : i32
    %c0_i32_1 = arith.constant 0 : i32
    return %c0_i32, %c0_i32_0 : i32, i32
  }
  func.func @transform_5(%arg0: i32) -> (i32, i32) {
    %c0_i32 = arith.constant 0 : i32
    %c0_i32_0 = arith.constant 0 : i32
    %c0_i32_1 = arith.constant 0 : i32
    return %c0_i32, %c0_i32_0 : i32, i32
  }
  func.func @transform_6(%arg0: i32) -> (i32, i32) {
    %c0_i32 = arith.constant 0 : i32
    %c0_i32_0 = arith.constant 0 : i32
    %c0_i32_1 = arith.constant 0 : i32
    return %c0_i32, %c0_i32_0 : i32, i32
  }
}

</mosaic_0001>

<sc_bundles>
// kernel: gin_agg_k160.3.cloned.1.call-start
scs
__scs_entry_jumppad:
0x0: {  	(pc) =	sbr.rel $0x88, $3  }
0x1: {  	(tag) =	ssettag $0x0;
	lr =	simm.s32 $0x1  }
0x2: {  	[smem:$0x3F88] =	sst lr;
	_ =	strace $0xD0000000  }
0x3: {  	_ = 	snop  }
0x4: {  	_ = 	snop  }
0x5: {  	_ = 	snop  }
0x6: {  	_ = 	snop  }
0x7: {  	_ = 	snop  }
__scs_overlays_trampoline_lowered:
0x8: {  	[smem:$0x3F97] =	sst s0  }
0x9: {  	[smem:$0x3F98] =	sst s1  }
0xa: {  	[smem:$0x3F99] =	sst s2  }
0xb: {  	[smem:$0x3F9A] =	sst s3  }
0xc: {  	[smem:$0x3F9B] =	sst s4  }
0xd: {  	[smem:$0x3F9C] =	sst s5  }
0xe: {  	[smem:$0x3F9D] =	sst s6  }
0xf: {  	[smem:$0x3F9E] =	sst s7  }
0x10: {  	[smem:$0x3F9F] =	sst s8  }
0x11: {  	[smem:$0x3FA0] =	sst s9;
	s0 =	simm.s32 @!p0 $0x0  }
0x12: {  	s1 =	sld [smem:$0x3F86];
	s0 =	simm.s32 @p0 $0x1  }
0x13: {  	[smem:$0x3FA1] =	sst s0;
	s0 =	simm.s32 @!p1 $0x0  }
0x14: {  	s2 =	sld [smem:$0x3F85];
	s0 =	simm.s32 @p1 $0x1  }
0x15: {  	[smem:$0x3FA2] =	sst s0;
	s0 =	simm.s32 @!p2 $0x0  }
0x16: {  	s3 =	sld [smem:$0x3FDB];
	s0 =	simm.s32 @p2 $0x1  }
0x17: {  	s4 =	simm.s32 $0x1BF5;
	[smem:$0x3FA4] =	sst s0  }
0x18: {  	s0 =	sld [smem:$0x3F87];
	_ =	swait.ge [sflag:s4], $0x0  }
0x19: {  	s7 =	sld [smem:$0x3F88]  }
0x1a: {  	s8 =	sadd.s32 $0xFFFFE003, lr  }
0x1b: {  	s9 =	sadd.s32 $0xFFFFFEF7, lr;
	s5 =	simm.s32 $0xFFFFFFFF;
	p2 =	slt.u32 s8, $0xFFFFF086  }
0x1c: {  	p1 =	slt.u32 s9, $0xF7A;
	s5 =	simm.s32 @!p2 $0x0  }
0x1d: {  	s5 =	simm.s32 @p1 $0x1;
	p0 =	seq.s32 s7, s2  }
0x1e: {  	s7 =	smul.u32 @!p0 $0xF7A, s2;
	p2 =	seq.s32 @!p0 s5, $0x0  }
0x1f: {  	s9 =	smul.u32 $0xF7A, s1;
	s8 =	simm.s32 @!p0 $0x1BF5;
	p2 =	por !p2, p0  }
0x20: {  	[sflag:s8] =	ssyncset.s32 @!p0 $0xFFFFF086;
	s6 =	sadd.s32 @!p0 s3, s7;
	s7 =	simm.s32 @!p0 $0x108  }
0x21: {  	s3 =	sadd.s32 s3, s9;
	s6 =	sadd.s32 @!p0 $0x88, s6;
	s7 =	simm.s32 @p2 $0x1082  }
0x22: {  	[simem:s7], [sflag:s8] =	dma.local @!p0 [hbm:s6], $0xF7A  }
0x23: {  	s9 =	sor.u32 $0xD0000000, s2;
	s6 =	simm.s32 $0x108;
	_ =	swait.ge @!p0 [sflag:s8], $0x0  }
0x24: {  	s3 =	sadd.s32 $0x88, s3;
	s6 =	simm.s32 @!p1 $0x1082;
	[sflag:s4] =	ssyncset.s32 $0xFFFFF086  }
0x25: {  	[simem:s6], [sflag:s4] =	dma.local [hbm:s3], $0xF7A  }
0x26: {  	[smem:$0x3F88] =	sst s1;
	(tag) =	ssettag s2;
	_ =	strace s9  }
0x27: {  	s1 =	sld [smem:$0x3F98]  }
0x28: {  	s2 =	sld [smem:$0x3F99]  }
0x29: {  	s4 =	sld [smem:$0x3F9B]  }
0x2a: {  	p0 =	seq.s32 s5, $0x0;
	s5 =	sld [smem:$0x3F9C]  }
0x2b: {  	s6 =	sld [smem:$0x3F9D]  }
0x2c: {  	s7 =	sld [smem:$0x3F9E]  }
0x2d: {  	s3 =	simm.s32 $0x108;
	s8 =	sld [smem:$0x3F9F]  }
0x2e: {  	s3 =	simm.s32 @!p0 $0x1082;
	s9 =	sld [smem:$0x3FA0]  }
0x2f: {  	lr =	sadd.s32 s0, s3;
	s0 =	sld [smem:$0x3F97]  }
0x30: {  	s3 =	sld [smem:$0x3F9A]  }
0x31: {  	[smem:$0x3FA3] =	sst s10  }
0x32: {  	s10 =	sld [smem:$0x3FA1];
	_ =	sdelay $0x3  }
0x33: {  	p0 =	seq.s32 s10, $0x1;
	s10 =	sld [smem:$0x3FA3];
	_ =	sdelay $0x3  }
0x34: {  	[smem:$0x3FA3] =	sst s10  }
0x35: {  	s10 =	sld [smem:$0x3FA2];
	_ =	sdelay $0x3  }
0x36: {  	p1 =	seq.s32 s10, $0x1;
	s10 =	sld [smem:$0x3FA3];
	_ =	sdelay $0x3  }
0x37: {  	[smem:$0x3FA3] =	sst s10  }
0x38: {  	s10 =	sld [smem:$0x3FA4]  }
0x39: {  	_ = 	snop;
	(pc) =	sbr.ind lr, $3  }
0x3a: {  	_ = 	snop  }
0x3b: {  	_ = 	snop  }
0x3c: {  	p2 =	seq.s32 s10, $0x1;
	s10 =	sld [smem:$0x3FA3]  }
0x3d: {  	_ =	shalt  }
0x3e: {  	_ =	shalt  }
0x3f: {  	_ =	shalt  }
0x40: {  	_ =	shalt  }
0x41: {  	_ =	shalt  }
0x42: {  	_ =	shalt  }
0x43: {  	_ =	shalt  }
0x44: {  	_ =	shalt  }
0x45: {  	_ =	shalt  }
0x46: {  	_ =	shalt  }
0x47: {  	_ =	shalt  }
0x48: {  	_ =	shalt  }
0x49: {  	_ =	shalt  }
0x4a: {  	_ =	shalt  }
0x4b: {  	_ =	shalt  }
0x4c: {  	_ =	shalt  }
0x4d: {  	_ =	shalt  }
0x4e: {  	_ =	shalt  }
0x4f: {  	_ =	shalt  }
0x50: {  	_ =	shalt  }
0x51: {  	_ =	shalt  }
0x52: {  	_ =	shalt  }
0x53: {  	_ =	shalt  }
0x54: {  	_ =	shalt  }
0x55: {  	_ =	shalt  }
0x56: {  	_ =	shalt  }
0x57: {  	_ =	shalt  }
0x58: {  	_ =	shalt  }
0x59: {  	_ =	shalt  }
0x5a: {  	_ =	shalt  }
0x5b: {  	_ =	shalt  }
0x5c: {  	_ =	shalt  }
0x5d: {  	_ =	shalt  }
0x5e: {  	_ =	shalt  }
0x5f: {  	_ =	shalt  }
0x60: {  	_ =	shalt  }
0x61: {  	_ =	shalt  }
0x62: {  	_ =	shalt  }
0x63: {  	_ =	shalt  }
0x64: {  	_ =	shalt  }
0x65: {  	_ =	shalt  }
0x66: {  	_ =	shalt  }
0x67: {  	_ =	shalt  }
0x68: {  	_ =	shalt  }
0x69: {  	_ =	shalt  }
0x6a: {  	_ =	shalt  }
0x6b: {  	_ =	shalt  }
0x6c: {  	_ =	shalt  }
0x6d: {  	_ =	shalt  }
0x6e: {  	_ =	shalt  }
0x6f: {  	_ =	shalt  }
0x70: {  	_ =	shalt  }
0x71: {  	_ =	shalt  }
0x72: {  	_ =	shalt  }
0x73: {  	_ =	shalt  }
0x74: {  	_ =	shalt  }
0x75: {  	_ =	shalt  }
0x76: {  	_ =	shalt  }
0x77: {  	_ =	shalt  }
0x78: {  	_ =	shalt  }
0x79: {  	_ =	shalt  }
0x7a: {  	_ =	shalt  }
0x7b: {  	_ =	shalt  }
0x7c: {  	_ =	shalt  }
0x7d: {  	_ =	shalt  }
0x7e: {  	_ =	shalt  }
0x7f: {  	_ =	shalt  }
0x80: {  	_ =	shalt  }
0x81: {  	_ =	shalt  }
0x82: {  	_ =	shalt  }
0x83: {  	_ =	shalt  }
0x84: {  	_ =	shalt  }
0x85: {  	_ =	shalt  }
0x86: {  	_ =	shalt  }
0x87: {  	_ =	shalt  }
.Lfunc_end0:
.L_simem_size_0:
called_computation_lowered:
.L_overlay_start_0:
0x88: {  	s2 =	sld [smem:$0x3FD9]  }
0x89: {  	s3 =	sld [smem:$0x3FFE];
	_ =	sdelay $0x1  }
0x8a: {  	s1 =	srdreg.scid  }
0x8b: {  	s0 =	sand.u32 $0x1, s1  }
0x8c: {  	s16 =	sshll.u32 s0, $0xA;
	s2 =	sadd.s32 s3, s2  }
0x8d: {  	s2 =	sadd.s32 s2, s16  }
0x8e: {  	[smem:$0x3FAF] =	sst s2  }
0x8f: {  	_ = 	snop  }
0x90: {  	(tm) =	ssettm $0x1  }
0x91: {  	s17 =	sld [smem:$0x3FFB];
	_ =	sdelay $0x3  }
0x92: {  	_ =	strace s17  }
0x93: {  	s2 =	sld [smem:$0x3FFC];
	_ =	sdelay $0x3  }
0x94: {  	_ =	strace s2  }
0x95: {  	s2 =	sld [smem:$0x3FFD];
	_ =	sdelay $0x3  }
0x96: {  	_ =	strace s2  }
0x97: {  	_ =	strace $0x8FFFFFFF  }
0x98: {  	s18 =	sld [smem:$0x3FDB];
	_ =	sdelay $0x1  }
0x99: {  	s19 =	simm.s32 $_scs_section_size  }
0x9a: {  	s4 =	simm.s32 $_size__tile_overlayer_lowered;
	s5 =	simm.s32 $_tile_overlayer_lowered  }
0x9b: {  	s22 =	simm.s32 $0x1BFF;
	s21 =	sshll.u32 s5, $0x1;
	s2 =	sadd.s32 s19, s18  }
0x9c: {  	s6 =	simm.s32 $0x0;
	s20 =	sshll.u32 s4, $0x1;
	s4 =	sadd.s32 s21, s2  }
0x9d: {  	[timem:s6], [sflag:s22] =	dma.local [hbm:s4], s20  }
0x9e: {  	_ =	swait.ge [sflag:s22], s20  }
0x9f: {  	s3 =	ssub.s32 $0x0, s20;
	[sflag:s22] =	ssyncset.done $0x0  }
0xa0: {  	[sflag:s22] =	ssyncadd.s32 s3;
	_ =	sdelay $0x1  }
0xa1: {  	s23 =	simm.s32 $0x1B8B  }
0xa2: {  	_ =	swait.ge [sflag:s23], $0x1  }
0xa3: {  	[sflag:s23] =	ssyncset.done $0x0  }
0xa4: {  	s25 =	simm.s32 $0x1B8E;
	s24 =	sld [smem:$0x3FFE];
	[sflag:s23] =	ssyncadd.s32 $0xFFFFFFFF  }
0xa5: {  	s26 =	simm.s32 $execute0_lowered;
	[smem:$0x3FD2] =	sst s25  }
0xa6: {  	s4 =	sshll.u32 s26, $0x1;
	_ =	strace $0x80000046;
	[dreg:$0x1] =	wrdreg $0xFFFFFFFF  }
0xa7: {  	s28 =	simm.s32 $_size_execute0_lowered;
	s2 =	sadd.s32 s2, s4;
	[dreg:$0x0] =	wrdreg $0x0  }
0xa8: {  	s4 =	sshll.u32 s28, $0x1;
	[dreg:$0x2] =	wrdreg s2  }
0xa9: {  	[dreg:$0x3] =	wrdreg s4  }
0xaa: {  	[dreg:$0x4] =	wrdreg $0xC0  }
0xab: {  	_ =	task [dreg:s6], $0x5FFFF  }
0xac: {  	[dreg:$0x1] =	wrdreg $0xFFFFFFFF  }
0xad: {  	[dreg:$0x0] =	wrdreg $0x60  }
0xae: {  	[dreg:$0x2] =	wrdreg s24  }
0xaf: {  	[dreg:$0x3] =	wrdreg $0xA0000  }
0xb0: {  	[dreg:$0x4] =	wrdreg $0x9  }
0xb1: {  	_ =	task.clear_ibuf [dreg:s6], $0x5FFFF;
	_ =	strace $0x90000046  }
0xb2: {  	s29 =	simm.s32 $0x9;
	_ =	strace $0x80000048  }
0xb3: {  	_ =	swait.ge [sflag:s29], $0x1  }
0xb4: {  	[sflag:s29] =	ssyncadd.s32 $0xFFFFFFFF  }
0xb5: {  	_ =	strace $0x90000048  }
0xb6: {  	_ =	sfence  }
0xb7: {  	s30 =	sld [smem:$0x0];
	_ =	sdelay $0x2  }
0xb8: {  	s31 =	sshll.u32 s1, $0xD;
	s1 =	sshrl.u32 s1, $0x2  }
0xb9: {  	s3 =	sand.u32 $0x4000, s31;
	s1 =	sadd.s32 s1, s30  }
0xba: {  	s0 =	sor.u32 s3, s0;
	s1 =	sshll.u32 s1, $0x11  }
0xbb: {  	s0 =	sor.u32 s1, s0  }
0xbc: {  	s0 =	sadd.s32 $0x8F2B, s0  }
0xbd: {  	[sflag:s0] =	ssyncadd.remote.s32 $0x1  }
0xbe: {  	_ =	sfence.sel $0xFFFF  }
0xbf: {  	[dreg:$0x0] =	wrdreg $0xFFFFFFFF;
	(pc) =	sbr.abs _section_cstart, $3  }
0xc0: {  	[dreg:$0x1] =	wrdreg $0xFFFFFFFF  }
0xc1: {  	_ =	task.clear_ibuf [dreg:s6], $0x2FFFF;
	_ =	strace $0x9FFFFFFF  }
0xc2: {  	(tm) =	ssettm $0x7FFFFFFF  }
0xc3: {  	_ =	shalt  }
tec
execute0_lowered:
.L_overlay_start_1:
0x0: {  	(tag) =	ssettag $0x1  }
0x1: {  	s7 =	rddreg [dreg:$0x0]  }
0x2: {  	s1 =	rddreg [dreg:$0x1]  }
0x3: {  	s0 =	rddreg [dreg:$0x2]  }
0x4: {  	s3 =	simm.s32 $0x0;
	s2 =	srdreg.scid;
	s16 =	simm.s32 $0x2000  }
0x5: {  	s17 =	simm.s32 $0x4000;
	s18 =	simm.s32 $0x6000;
	s8 =	sand.u32 $0x1, s2  }
0x6: {  	s19 =	simm.s32 $0x8000;
	s2 =	stileid.u32;
	s9 =	smul.u32 $0x2800, s8  }
0x7: {  	s20 =	simm.s32 $0x1;
	s21 =	simm.s32 $0x2;
	s10 =	smul.u32 $0x280, s2  }
0x8: {  	[smem:$0x7FF] =	sst s3;
	s4 =	sadd.s32 $0x2C400, s7;
	s11 =	smul.u32 $0x50000, s2  }
0x9: {  	s5 =	sadd.s32 $0x4400, s7;
	s28 =	ssub.s32 $0x2, s8;
	s8 =	smul.u32 $0xA00, s8  }
0xa: {  	s6 =	sadd.s32 $0x18400, s7;
	_ =	strace $0x80000047;
	s13 =	smul.u32 $0xA0, s2  }
0xb: {  	s30 =	sshll.u32 s2, $0x6;
	s12 =	sshrl.u32 s28, $0x1;
	s9 =	sadd.s32 s10, s9  }
0xc: {  	s12 =	ssub.s32 s28, s12;
	s29 =	sshrl.u32 s11, $0x2;
	s31 =	sadd.s32 s13, s8  }
0xd: {  	s8 =	sor.u32 $0x1C03, s30;
	s13 =	simm.s32 $0x3;
	s9 =	sshll.u32 s9, $0x4  }
0xe: {  	s15 =	sadd.s32 s29, s1;
	s11 =	smax.u32 s12, $0x1;
	s14 =	sadd.s32 s9, s7  }
0xf: {  	s7 =	sadd.s32 s4, s9;
	s9 =	sshll.u32 s31, $0x4;
	s12 =	sshrl.u32 s15, $0x3  }
0x10: {  	s15 =	simm.s32 $0x40;
	s10 =	sadd.s32 $0x7C400, s14;
	s14 =	simm.s32 $0x1000  }
.LBB2_1:
0x11: {  	[spmem:s12], [sflag:s8] =	dma.local [hbm:s7], $0x2800  }
0x12: {  	_ =	swait.ge [sflag:s13], $0x2800  }
0x13: {  	[sflag:s13] =	ssyncset.done $0x0  }
0x14: {  	[sflag:s13] =	ssyncadd.s32 $0xFFFFD800  }
0x15: {  	s22 =	simm.s32 $0x0;
	[bflag:$0x0] =	sbarrier.arrive $0xFFFF  }
.LBB2_2:
0x16: {  	s23 =	sshll.u32 s22, $0x9  }
0x17: {  	s23 =	sadd.s32 s9, s23  }
0x18: {  	s25 =	simm.s32 $0x0;
	s24 =	sadd.s32 s5, s23  }
0x19: {  	[tilespmem:s25], [sflag:$0x3] =	stream.linear.gather [hbm4b:s24+s25], $0x1000, $0x38;
	[tilespmem:$0x1E000] =	vst v63  }
0x1a: {  	_ =	swait.ge [sflag:s13], $0x1000  }
0x1b: {  	[sflag:s13] =	ssyncset.done $0x0  }
0x1c: {  	s23 =	sadd.s32 s6, s23;
	[sflag:s13] =	ssyncadd.s32 $0xFFFFF000  }
0x1d: {  	[tilespmem:s14], [sflag:$0x3] =	stream.linear.gather [hbm4b:s23+s25], $0x1000, $0x38;
	[tilespmem:$0x1E000] =	vst v63  }
0x1e: {  	_ =	swait.ge [sflag:s13], $0x1000  }
0x1f: {  	[sflag:s13] =	ssyncset.done $0x0  }
0x20: {  	s31 =	simm.s32 $0x0;
	[sflag:s13] =	ssyncadd.s32 $0xFFFFF000  }
0x21: {  	[tilespmem:s16], [sflag:$0x1] =	stream.indirect.gather [hbm4b:s4+s15], $0x80, s31, s15, $0xb8;
	[tilespmem:$0x1E000] =	vst v63  }
0x22: {  	s24 =	simm.s32 $0x80  }
0x23: {  	[tilespmem:s17], [sflag:$0x1] =	stream.indirect.gather [hbm4b:s4+s15], $0x80, s24, s15, $0xb8;
	[tilespmem:$0x1E000] =	vst v63  }
0x24: {  	s25 =	simm.s32 $0x100  }
0x25: {  	[tilespmem:s18], [sflag:$0x1] =	stream.indirect.gather [hbm4b:s4+s15], $0x80, s25, s15, $0xb8;
	[tilespmem:$0x1E000] =	vst v63  }
0x26: {  	s26 =	simm.s32 $0x180  }
0x27: {  	[tilespmem:s19], [sflag:$0x1] =	stream.indirect.gather [hbm4b:s4+s15], $0x80, s26, s15, $0xb8;
	[tilespmem:$0x1E000] =	vst v63  }
0x28: {  	_ =	swait.ge [sflag:s20], $0x2000  }
0x29: {  	[sflag:s20] =	ssyncset.done $0x0  }
0x2a: {  	s28 =	simm.s32 $0x1000;
	[sflag:s20] =	ssyncadd.s32 $0xFFFFE000  }
0x2b: {  	[spmem:s1] =	stream.indirect.scatter.add.f32 [tilespmem:s16], [sflag:$0x2], $0x80, s28, s15, $0xb8;
	[tilespmem:$0x1E000] =	vst v63  }
0x2c: {  	_ =	swait.ge [sflag:s20], $0x2000  }
0x2d: {  	[sflag:s20] =	ssyncset.done $0x0  }
0x2e: {  	s29 =	simm.s32 $0x1080;
	[sflag:s20] =	ssyncadd.s32 $0xFFFFE000  }
0x2f: {  	[spmem:s1] =	stream.indirect.scatter.add.f32 [tilespmem:s17], [sflag:$0x2], $0x80, s29, s15, $0xb8;
	[tilespmem:$0x1E000] =	vst v63  }
0x30: {  	_ =	swait.ge [sflag:s20], $0x2000  }
0x31: {  	[sflag:s20] =	ssyncset.done $0x0  }
0x32: {  	s30 =	simm.s32 $0x1100;
	[sflag:s20] =	ssyncadd.s32 $0xFFFFE000  }
0x33: {  	[spmem:s1] =	stream.indirect.scatter.add.f32 [tilespmem:s18], [sflag:$0x2], $0x80, s30, s15, $0xb8;
	[tilespmem:$0x1E000] =	vst v63  }
0x34: {  	_ =	swait.ge [sflag:s20], $0x2000  }
0x35: {  	[sflag:s20] =	ssyncset.done $0x0  }
0x36: {  	s31 =	simm.s32 $0x1180;
	[sflag:s20] =	ssyncadd.s32 $0xFFFFE000  }
0x37: {  	[spmem:s1] =	stream.indirect.scatter.add.f32 [tilespmem:s19], [sflag:$0x2], $0x80, s31, s15, $0xb8;
	[tilespmem:$0x1E000] =	vst v63  }
0x38: {  	_ =	swait.ge [sflag:s21], $0x2000  }
0x39: {  	[sflag:s21] =	ssyncset.done $0x0  }
0x3a: {  	[sflag:s21] =	ssyncadd.s32 $0xFFFFE000  }
0x3b: {  	_ =	swait.ge [sflag:s21], $0x2000  }
0x3c: {  	[sflag:s21] =	ssyncset.done $0x0  }
0x3d: {  	[sflag:s21] =	ssyncadd.s32 $0xFFFFE000  }
0x3e: {  	_ =	swait.ge [sflag:s21], $0x2000  }
0x3f: {  	[sflag:s21] =	ssyncset.done $0x0  }
0x40: {  	[sflag:s21] =	ssyncadd.s32 $0xFFFFE000  }
0x41: {  	_ =	swait.ge [sflag:s21], $0x2000  }
0x42: {  	s23 =	simm.s32 $0x800;
	s25 =	simm.s32 $0x1000;
	[sflag:s21] =	ssyncset.done $0x0  }
.LBB2_3:
0x43: {  	s26 =	sshra.s32 s23, $0x2  }
0x44: {  	[sflag:s21] =	ssyncadd.s32 $0xFFFFE000;
	s23 =	smov.u32 s25;
	s24 =	sadd.s32 $0x800, s25  }
0x45: {  	[tilespmem:s16], [sflag:$0x1] =	stream.indirect.gather [hbm4b:s4+s15], $0x80, s26, s15, $0xb8;
	[tilespmem:$0x1E000] =	vst v63  }
0x46: {  	p0 =	sne.s32 s25, $0x3800;
	s25 =	sadd.s32 $0x80, s26  }
0x47: {  	[tilespmem:s17], [sflag:$0x1] =	stream.indirect.gather [hbm4b:s4+s15], $0x80, s25, s15, $0xb8;
	[tilespmem:$0x1E000] =	vst v63  }
0x48: {  	s25 =	sadd.s32 $0x100, s26  }
0x49: {  	[tilespmem:s18], [sflag:$0x1] =	stream.indirect.gather [hbm4b:s4+s15], $0x80, s25, s15, $0xb8;
	[tilespmem:$0x1E000] =	vst v63  }
0x4a: {  	s25 =	sadd.s32 $0x180, s26  }
0x4b: {  	[tilespmem:s19], [sflag:$0x1] =	stream.indirect.gather [hbm4b:s4+s15], $0x80, s25, s15, $0xb8;
	[tilespmem:$0x1E000] =	vst v63  }
0x4c: {  	_ =	swait.ge [sflag:s20], $0x2000  }
0x4d: {  	[sflag:s20] =	ssyncset.done $0x0  }
0x4e: {  	s25 =	sadd.s32 $0x1000, s26;
	[sflag:s20] =	ssyncadd.s32 $0xFFFFE000  }
0x4f: {  	[spmem:s1] =	stream.indirect.scatter.add.f32 [tilespmem:s16], [sflag:$0x2], $0x80, s25, s15, $0xb8;
	[tilespmem:$0x1E000] =	vst v63  }
0x50: {  	_ =	swait.ge [sflag:s20], $0x2000  }
0x51: {  	[sflag:s20] =	ssyncset.done $0x0  }
0x52: {  	s25 =	sadd.s32 $0x1080, s26;
	[sflag:s20] =	ssyncadd.s32 $0xFFFFE000  }
0x53: {  	[spmem:s1] =	stream.indirect.scatter.add.f32 [tilespmem:s17], [sflag:$0x2], $0x80, s25, s15, $0xb8;
	[tilespmem:$0x1E000] =	vst v63  }
0x54: {  	_ =	swait.ge [sflag:s20], $0x2000  }
0x55: {  	[sflag:s20] =	ssyncset.done $0x0  }
0x56: {  	s25 =	sadd.s32 $0x1100, s26;
	[sflag:s20] =	ssyncadd.s32 $0xFFFFE000  }
0x57: {  	[spmem:s1] =	stream.indirect.scatter.add.f32 [tilespmem:s18], [sflag:$0x2], $0x80, s25, s15, $0xb8;
	[tilespmem:$0x1E000] =	vst v63  }
0x58: {  	_ =	swait.ge [sflag:s20], $0x2000  }
0x59: {  	[sflag:s20] =	ssyncset.done $0x0  }
0x5a: {  	s25 =	sadd.s32 $0x1180, s26;
	[sflag:s20] =	ssyncadd.s32 $0xFFFFE000  }
0x5b: {  	[spmem:s1] =	stream.indirect.scatter.add.f32 [tilespmem:s19], [sflag:$0x2], $0x80, s25, s15, $0xb8;
	[tilespmem:$0x1E000] =	vst v63  }
0x5c: {  	_ =	swait.ge [sflag:s21], $0x2000  }
0x5d: {  	[sflag:s21] =	ssyncset.done $0x0  }
0x5e: {  	[sflag:s21] =	ssyncadd.s32 $0xFFFFE000  }
0x5f: {  	_ =	swait.ge [sflag:s21], $0x2000  }
0x60: {  	[sflag:s21] =	ssyncset.done $0x0  }
0x61: {  	[sflag:s21] =	ssyncadd.s32 $0xFFFFE000  }
.Ltmp0:
0x62: {  	_ =	swait.ge [sflag:s21], $0x2000;
	(pc) =	sbr.rel @p0 .LBB2_3-.Ltmp0, $4  }
0x63: {  	[sflag:s21] =	ssyncset.done $0x0  }
0x64: {  	[sflag:s21] =	ssyncadd.s32 $0xFFFFE000  }
0x65: {  	_ =	swait.ge [sflag:s21], $0x2000  }
0x66: {  	s25 =	smov.u32 s24;
	[sflag:s21] =	ssyncset.done $0x0  }
0x67: {  	s23 =	sshra.s32 s23, $0x2;
	[sflag:s21] =	ssyncadd.s32 $0xFFFFE000  }
0x68: {  	[tilespmem:s16], [sflag:$0x1] =	stream.indirect.gather [hbm4b:s4+s15], $0x80, s23, s15, $0xb8;
	[tilespmem:$0x1E000] =	vst v63  }
0x69: {  	s24 =	sadd.s32 $0x80, s23  }
0x6a: {  	[tilespmem:s17], [sflag:$0x1] =	stream.indirect.gather [hbm4b:s4+s15], $0x80, s24, s15, $0xb8;
	[tilespmem:$0x1E000] =	vst v63  }
0x6b: {  	s26 =	sadd.s32 $0x100, s23  }
0x6c: {  	[tilespmem:s18], [sflag:$0x1] =	stream.indirect.gather [hbm4b:s4+s15], $0x80, s26, s15, $0xb8;
	[tilespmem:$0x1E000] =	vst v63  }
0x6d: {  	s28 =	sadd.s32 $0x180, s23  }
0x6e: {  	[tilespmem:s19], [sflag:$0x1] =	stream.indirect.gather [hbm4b:s4+s15], $0x80, s28, s15, $0xb8;
	[tilespmem:$0x1E000] =	vst v63  }
0x6f: {  	_ =	swait.ge [sflag:s20], $0x2000  }
0x70: {  	[sflag:s20] =	ssyncset.done $0x0  }
0x71: {  	s29 =	sadd.s32 $0x1000, s23;
	[sflag:s20] =	ssyncadd.s32 $0xFFFFE000  }
0x72: {  	[spmem:s1] =	stream.indirect.scatter.add.f32 [tilespmem:s16], [sflag:$0x2], $0x80, s29, s15, $0xb8;
	[tilespmem:$0x1E000] =	vst v63  }
0x73: {  	_ =	swait.ge [sflag:s20], $0x2000  }
0x74: {  	[sflag:s20] =	ssyncset.done $0x0  }
0x75: {  	s30 =	sadd.s32 $0x1080, s23;
	[sflag:s20] =	ssyncadd.s32 $0xFFFFE000  }
0x76: {  	[spmem:s1] =	stream.indirect.scatter.add.f32 [tilespmem:s17], [sflag:$0x2], $0x80, s30, s15, $0xb8;
	[tilespmem:$0x1E000] =	vst v63  }
0x77: {  	_ =	swait.ge [sflag:s20], $0x2000  }
0x78: {  	[sflag:s20] =	ssyncset.done $0x0  }
0x79: {  	s31 =	sadd.s32 $0x1100, s23;
	[sflag:s20] =	ssyncadd.s32 $0xFFFFE000  }
0x7a: {  	[spmem:s1] =	stream.indirect.scatter.add.f32 [tilespmem:s18], [sflag:$0x2], $0x80, s31, s15, $0xb8;
	[tilespmem:$0x1E000] =	vst v63  }
0x7b: {  	_ =	swait.ge [sflag:s20], $0x2000  }
0x7c: {  	[sflag:s20] =	ssyncset.done $0x0  }
0x7d: {  	s23 =	sadd.s32 $0x1180, s23;
	[sflag:s20] =	ssyncadd.s32 $0xFFFFE000  }
0x7e: {  	[spmem:s1] =	stream.indirect.scatter.add.f32 [tilespmem:s19], [sflag:$0x2], $0x80, s23, s15, $0xb8;
	[tilespmem:$0x1E000] =	vst v63  }
0x7f: {  	_ =	swait.ge [sflag:s21], $0x2000  }
0x80: {  	[sflag:s21] =	ssyncset.done $0x0  }
0x81: {  	[sflag:s21] =	ssyncadd.s32 $0xFFFFE000  }
0x82: {  	_ =	swait.ge [sflag:s21], $0x2000  }
0x83: {  	[sflag:s21] =	ssyncset.done $0x0  }
0x84: {  	s22 =	sadd.s32 $0x1, s22;
	[sflag:s21] =	ssyncadd.s32 $0xFFFFE000  }
0x85: {  	p0 =	sne.s32 s22, $0x5;
	_ =	swait.ge [sflag:s21], $0x2000  }
.Ltmp1:
0x86: {  	[sflag:s21] =	ssyncset.done $0x0;
	(pc) =	sbr.rel @p0 .LBB2_2-.Ltmp1, $4  }
0x87: {  	[sflag:s21] =	ssyncadd.s32 $0xFFFFE000  }
0x88: {  	_ =	swait.ge [sflag:s21], $0x2000  }
0x89: {  	[sflag:s21] =	ssyncset.done $0x0  }
0x8a: {  	[sflag:s21] =	ssyncadd.s32 $0xFFFFE000  }
0x8b: {  	s3 =	sadd.s32 $0x1, s3  }
0x8c: {  	p0 =	sne.s32 s3, s11  }
.Ltmp2:
0x8d: {  	[bflag:$0x0] =	sbarrier.arrive $0xFFFF;
	(pc) =	sbr.rel @p0 .LBB2_1-.Ltmp2, $4  }
0x8e: {  	[hbm:s10], [sflag:s8] =	dma.local [spmem:s12], $0x2800  }
0x8f: {  	_ =	swait.ge [sflag:s13], $0x2800  }
0x90: {  	[sflag:s13] =	ssyncset.done $0x0  }
0x91: {  	[sflag:s13] =	ssyncadd.s32 $0xFFFFD800  }
0x92: {  	_ =	sfence.sel $0x180000  }
0x93: {  	[bflag:$0x0] =	sbarrier.arrive $0xFFFF  }
0x94: {  	p0 =	sne.s32 s2, $0x0;
	_ =	strace $0x90000047  }
0x95: {  	s0 =	sadd.s32 @!p0 $0x100000, s0;
	[bflag:$0x2] =	sbarrier.arrive $0xFFFF  }
0x96: {  	[sflag:s0] =	ssyncadd.tile.s32 @!p0 $0x1;
	_ =	shalt  }
.Lfunc_end2:
_tile_overlayer_lowered:
.L_overlay_start_2:
0x97: {  	(tag) =	ssettag $0x2  }
0x98: {  	s0 =	rddreg [dreg:$0x0];
	s2 =	stileid.u32  }
0x99: {  	s1 =	rddreg [dreg:$0x1];
	p0 =	sne.s32 s2, $0x0  }
0x9a: {  	s3 =	rddreg [dreg:$0x2];
	[bflag:$0x3] =	sbarrier.arrive $0xFFFF;
	s2 =	simm.s32 @!p0 $0x1C03  }
0x9b: {  	[timem:s3], [sflag:s2] =	dma.local @!p0 [hbm:s0], s1  }
0x9c: {  	s0 =	simm.s32 @!p0 $0x3  }
0x9d: {  	_ =	swait.ge @!p0 [sflag:s0], s1  }
0x9e: {  	s1 =	ssub.s32 @!p0 $0x0, s1;
	[sflag:s0] =	ssyncset.done @!p0 $0x0  }
0x9f: {  	[sflag:s0] =	ssyncadd.s32 @!p0 s1  }
0xa0: {  	[bflag:$0x3] =	sbarrier.arrive $0xFFFF  }
0xa1: {  	_ =	shalt  }

// kernel: gin_agg_k320.4.cloned.1.call-start
scs
__scs_entry_jumppad:
0x0: {  	(pc) =	sbr.rel $0x88, $3  }
0x1: {  	(tag) =	ssettag $0x0;
	lr =	simm.s32 $0x1  }
0x2: {  	[smem:$0x3F88] =	sst lr;
	_ =	strace $0xD0000000  }
0x3: {  	_ = 	snop  }
0x4: {  	_ = 	snop  }
0x5: {  	_ = 	snop  }
0x6: {  	_ = 	snop  }
0x7: {  	_ = 	snop  }
__scs_overlays_trampoline_lowered:
0x8: {  	[smem:$0x3F97] =	sst s0  }
0x9: {  	[smem:$0x3F98] =	sst s1  }
0xa: {  	[smem:$0x3F99] =	sst s2  }
0xb: {  	[smem:$0x3F9A] =	sst s3  }
0xc: {  	[smem:$0x3F9B] =	sst s4  }
0xd: {  	[smem:$0x3F9C] =	sst s5  }
0xe: {  	[smem:$0x3F9D] =	sst s6  }
0xf: {  	[smem:$0x3F9E] =	sst s7  }
0x10: {  	[smem:$0x3F9F] =	sst s8  }
0x11: {  	[smem:$0x3FA0] =	sst s9;
	s0 =	simm.s32 @!p0 $0x0  }
0x12: {  	s1 =	sld [smem:$0x3F86];
	s0 =	simm.s32 @p0 $0x1  }
0x13: {  	[smem:$0x3FA1] =	sst s0;
	s0 =	simm.s32 @!p1 $0x0  }
0x14: {  	s2 =	sld [smem:$0x3F85];
	s0 =	simm.s32 @p1 $0x1  }
0x15: {  	[smem:$0x3FA2] =	sst s0;
	s0 =	simm.s32 @!p2 $0x0  }
0x16: {  	s3 =	sld [smem:$0x3FDB];
	s0 =	simm.s32 @p2 $0x1  }
0x17: {  	s4 =	simm.s32 $0x1BF5;
	[smem:$0x3FA4] =	sst s0  }
0x18: {  	s0 =	sld [smem:$0x3F87];
	_ =	swait.ge [sflag:s4], $0x0  }
0x19: {  	s7 =	sld [smem:$0x3F88]  }
0x1a: {  	s8 =	sadd.s32 $0xFFFFE003, lr  }
0x1b: {  	s9 =	sadd.s32 $0xFFFFFEF7, lr;
	s5 =	simm.s32 $0xFFFFFFFF;
	p2 =	slt.u32 s8, $0xFFFFF086  }
0x1c: {  	p1 =	slt.u32 s9, $0xF7A;
	s5 =	simm.s32 @!p2 $0x0  }
0x1d: {  	s5 =	simm.s32 @p1 $0x1;
	p0 =	seq.s32 s7, s2  }
0x1e: {  	s7 =	smul.u32 @!p0 $0xF7A, s2;
	p2 =	seq.s32 @!p0 s5, $0x0  }
0x1f: {  	s9 =	smul.u32 $0xF7A, s1;
	s8 =	simm.s32 @!p0 $0x1BF5;
	p2 =	por !p2, p0  }
0x20: {  	[sflag:s8] =	ssyncset.s32 @!p0 $0xFFFFF086;
	s6 =	sadd.s32 @!p0 s3, s7;
	s7 =	simm.s32 @!p0 $0x108  }
0x21: {  	s3 =	sadd.s32 s3, s9;
	s6 =	sadd.s32 @!p0 $0x88, s6;
	s7 =	simm.s32 @p2 $0x1082  }
0x22: {  	[simem:s7], [sflag:s8] =	dma.local @!p0 [hbm:s6], $0xF7A  }
0x23: {  	s9 =	sor.u32 $0xD0000000, s2;
	s6 =	simm.s32 $0x108;
	_ =	swait.ge @!p0 [sflag:s8], $0x0  }
0x24: {  	s3 =	sadd.s32 $0x88, s3;
	s6 =	simm.s32 @!p1 $0x1082;
	[sflag:s4] =	ssyncset.s32 $0xFFFFF086  }
0x25: {  	[simem:s6], [sflag:s4] =	dma.local [hbm:s3], $0xF7A  }
0x26: {  	[smem:$0x3F88] =	sst s1;
	(tag) =	ssettag s2;
	_ =	strace s9  }
0x27: {  	s1 =	sld [smem:$0x3F98]  }
0x28: {  	s2 =	sld [smem:$0x3F99]  }
0x29: {  	s4 =	sld [smem:$0x3F9B]  }
0x2a: {  	p0 =	seq.s32 s5, $0x0;
	s5 =	sld [smem:$0x3F9C]  }
0x2b: {  	s6 =	sld [smem:$0x3F9D]  }
0x2c: {  	s7 =	sld [smem:$0x3F9E]  }
0x2d: {  	s3 =	simm.s32 $0x108;
	s8 =	sld [smem:$0x3F9F]  }
0x2e: {  	s3 =	simm.s32 @!p0 $0x1082;
	s9 =	sld [smem:$0x3FA0]  }
0x2f: {  	lr =	sadd.s32 s0, s3;
	s0 =	sld [smem:$0x3F97]  }
0x30: {  	s3 =	sld [smem:$0x3F9A]  }
0x31: {  	[smem:$0x3FA3] =	sst s10  }
0x32: {  	s10 =	sld [smem:$0x3FA1];
	_ =	sdelay $0x3  }
0x33: {  	p0 =	seq.s32 s10, $0x1;
	s10 =	sld [smem:$0x3FA3];
	_ =	sdelay $0x3  }
0x34: {  	[smem:$0x3FA3] =	sst s10  }
0x35: {  	s10 =	sld [smem:$0x3FA2];
	_ =	sdelay $0x3  }
0x36: {  	p1 =	seq.s32 s10, $0x1;
	s10 =	sld [smem:$0x3FA3];
	_ =	sdelay $0x3  }
0x37: {  	[smem:$0x3FA3] =	sst s10  }
0x38: {  	s10 =	sld [smem:$0x3FA4]  }
0x39: {  	_ = 	snop;
	(pc) =	sbr.ind lr, $3  }
0x3a: {  	_ = 	snop  }
0x3b: {  	_ = 	snop  }
0x3c: {  	p2 =	seq.s32 s10, $0x1;
	s10 =	sld [smem:$0x3FA3]  }
0x3d: {  	_ =	shalt  }
0x3e: {  	_ =	shalt  }
0x3f: {  	_ =	shalt  }
0x40: {  	_ =	shalt  }
0x41: {  	_ =	shalt  }
0x42: {  	_ =	shalt  }
0x43: {  	_ =	shalt  }
0x44: {  	_ =	shalt  }
0x45: {  	_ =	shalt  }
0x46: {  	_ =	shalt  }
0x47: {  	_ =	shalt  }
0x48: {  	_ =	shalt  }
0x49: {  	_ =	shalt  }
0x4a: {  	_ =	shalt  }
0x4b: {  	_ =	shalt  }
0x4c: {  	_ =	shalt  }
0x4d: {  	_ =	shalt  }
0x4e: {  	_ =	shalt  }
0x4f: {  	_ =	shalt  }
0x50: {  	_ =	shalt  }
0x51: {  	_ =	shalt  }
0x52: {  	_ =	shalt  }
0x53: {  	_ =	shalt  }
0x54: {  	_ =	shalt  }
0x55: {  	_ =	shalt  }
0x56: {  	_ =	shalt  }
0x57: {  	_ =	shalt  }
0x58: {  	_ =	shalt  }
0x59: {  	_ =	shalt  }
0x5a: {  	_ =	shalt  }
0x5b: {  	_ =	shalt  }
0x5c: {  	_ =	shalt  }
0x5d: {  	_ =	shalt  }
0x5e: {  	_ =	shalt  }
0x5f: {  	_ =	shalt  }
0x60: {  	_ =	shalt  }
0x61: {  	_ =	shalt  }
0x62: {  	_ =	shalt  }
0x63: {  	_ =	shalt  }
0x64: {  	_ =	shalt  }
0x65: {  	_ =	shalt  }
0x66: {  	_ =	shalt  }
0x67: {  	_ =	shalt  }
0x68: {  	_ =	shalt  }
0x69: {  	_ =	shalt  }
0x6a: {  	_ =	shalt  }
0x6b: {  	_ =	shalt  }
0x6c: {  	_ =	shalt  }
0x6d: {  	_ =	shalt  }
0x6e: {  	_ =	shalt  }
0x6f: {  	_ =	shalt  }
0x70: {  	_ =	shalt  }
0x71: {  	_ =	shalt  }
0x72: {  	_ =	shalt  }
0x73: {  	_ =	shalt  }
0x74: {  	_ =	shalt  }
0x75: {  	_ =	shalt  }
0x76: {  	_ =	shalt  }
0x77: {  	_ =	shalt  }
0x78: {  	_ =	shalt  }
0x79: {  	_ =	shalt  }
0x7a: {  	_ =	shalt  }
0x7b: {  	_ =	shalt  }
0x7c: {  	_ =	shalt  }
0x7d: {  	_ =	shalt  }
0x7e: {  	_ =	shalt  }
0x7f: {  	_ =	shalt  }
0x80: {  	_ =	shalt  }
0x81: {  	_ =	shalt  }
0x82: {  	_ =	shalt  }
0x83: {  	_ =	shalt  }
0x84: {  	_ =	shalt  }
0x85: {  	_ =	shalt  }
0x86: {  	_ =	shalt  }
0x87: {  	_ =	shalt  }
.Lfunc_end0:
.L_simem_size_0:
called_computation.1_lowered:
.L_overlay_start_0:
0x88: {  	s2 =	sld [smem:$0x3FD9]  }
0x89: {  	s3 =	sld [smem:$0x3FFE];
	_ =	sdelay $0x1  }
0x8a: {  	s1 =	srdreg.scid  }
0x8b: {  	s0 =	sand.u32 $0x1, s1  }
0x8c: {  	s16 =	sshll.u32 s0, $0xA;
	s2 =	sadd.s32 s3, s2  }
0x8d: {  	s2 =	sadd.s32 s2, s16  }
0x8e: {  	[smem:$0x3FAF] =	sst s2  }
0x8f: {  	_ = 	snop  }
0x90: {  	(tm) =	ssettm $0x1  }
0x91: {  	s17 =	sld [smem:$0x3FFB];
	_ =	sdelay $0x3  }
0x92: {  	_ =	strace s17  }
0x93: {  	s2 =	sld [smem:$0x3FFC];
	_ =	sdelay $0x3  }
0x94: {  	_ =	strace s2  }
0x95: {  	s2 =	sld [smem:$0x3FFD];
	_ =	sdelay $0x3  }
0x96: {  	_ =	strace s2  }
0x97: {  	_ =	strace $0x8FFFFFFF  }
0x98: {  	s18 =	sld [smem:$0x3FDB];
	_ =	sdelay $0x1  }
0x99: {  	s19 =	simm.s32 $_scs_section_size  }
0x9a: {  	s4 =	simm.s32 $_size__tile_overlayer_lowered;
	s5 =	simm.s32 $_tile_overlayer_lowered  }
0x9b: {  	s22 =	simm.s32 $0x1BFF;
	s21 =	sshll.u32 s5, $0x1;
	s2 =	sadd.s32 s19, s18  }
0x9c: {  	s6 =	simm.s32 $0x0;
	s20 =	sshll.u32 s4, $0x1;
	s4 =	sadd.s32 s21, s2  }
0x9d: {  	[timem:s6], [sflag:s22] =	dma.local [hbm:s4], s20  }
0x9e: {  	_ =	swait.ge [sflag:s22], s20  }
0x9f: {  	s3 =	ssub.s32 $0x0, s20;
	[sflag:s22] =	ssyncset.done $0x0  }
0xa0: {  	[sflag:s22] =	ssyncadd.s32 s3;
	_ =	sdelay $0x1  }
0xa1: {  	s23 =	simm.s32 $0x1B8B  }
0xa2: {  	_ =	swait.ge [sflag:s23], $0x1  }
0xa3: {  	[sflag:s23] =	ssyncset.done $0x0  }
0xa4: {  	s25 =	simm.s32 $0x1B8E;
	s24 =	sld [smem:$0x3FFE];
	[sflag:s23] =	ssyncadd.s32 $0xFFFFFFFF  }
0xa5: {  	s26 =	simm.s32 $execute0_lowered;
	[smem:$0x3FD2] =	sst s25  }
0xa6: {  	s4 =	sshll.u32 s26, $0x1;
	_ =	strace $0x80000049;
	[dreg:$0x1] =	wrdreg $0xFFFFFFFF  }
0xa7: {  	s28 =	simm.s32 $_size_execute0_lowered;
	s2 =	sadd.s32 s2, s4;
	[dreg:$0x0] =	wrdreg $0x0  }
0xa8: {  	s4 =	sshll.u32 s28, $0x1;
	[dreg:$0x2] =	wrdreg s2  }
0xa9: {  	[dreg:$0x3] =	wrdreg s4  }
0xaa: {  	[dreg:$0x4] =	wrdreg $0xC0  }
0xab: {  	_ =	task [dreg:s6], $0x5FFFF  }
0xac: {  	[dreg:$0x1] =	wrdreg $0xFFFFFFFF  }
0xad: {  	[dreg:$0x0] =	wrdreg $0x60  }
0xae: {  	[dreg:$0x2] =	wrdreg s24  }
0xaf: {  	[dreg:$0x3] =	wrdreg $0xA0000  }
0xb0: {  	[dreg:$0x4] =	wrdreg $0x9  }
0xb1: {  	_ =	task.clear_ibuf [dreg:s6], $0x5FFFF;
	_ =	strace $0x90000049  }
0xb2: {  	s29 =	simm.s32 $0x9;
	_ =	strace $0x8000004B  }
0xb3: {  	_ =	swait.ge [sflag:s29], $0x1  }
0xb4: {  	[sflag:s29] =	ssyncadd.s32 $0xFFFFFFFF  }
0xb5: {  	_ =	strace $0x9000004B  }
0xb6: {  	_ =	sfence  }
0xb7: {  	s30 =	sld [smem:$0x0];
	_ =	sdelay $0x2  }
0xb8: {  	s31 =	sshll.u32 s1, $0xD;
	s1 =	sshrl.u32 s1, $0x2  }
0xb9: {  	s3 =	sand.u32 $0x4000, s31;
	s1 =	sadd.s32 s1, s30  }
0xba: {  	s0 =	sor.u32 s3, s0;
	s1 =	sshll.u32 s1, $0x11  }
0xbb: {  	s0 =	sor.u32 s1, s0  }
0xbc: {  	s0 =	sadd.s32 $0x8F2B, s0  }
0xbd: {  	[sflag:s0] =	ssyncadd.remote.s32 $0x1  }
0xbe: {  	_ =	sfence.sel $0xFFFF  }
0xbf: {  	[dreg:$0x0] =	wrdreg $0xFFFFFFFF;
	(pc) =	sbr.abs _section_cstart, $3  }
0xc0: {  	[dreg:$0x1] =	wrdreg $0xFFFFFFFF  }
0xc1: {  	_ =	task.clear_ibuf [dreg:s6], $0x2FFFF;
	_ =	strace $0x9FFFFFFF  }
0xc2: {  	(tm) =	ssettm $0x7FFFFFFF  }
0xc3: {  	_ =	shalt  }
tec
execute0_lowered:
.L_overlay_start_1:
0x0: {  	(tag) =	ssettag $0x1  }
0x1: {  	s7 =	rddreg [dreg:$0x0]  }
0x2: {  	s1 =	rddreg [dreg:$0x1]  }
0x3: {  	s0 =	rddreg [dreg:$0x2]  }
0x4: {  	s3 =	simm.s32 $0x0;
	s2 =	srdreg.scid;
	s16 =	simm.s32 $0x2000  }
0x5: {  	s17 =	simm.s32 $0x4000;
	s18 =	simm.s32 $0x6000;
	s8 =	sand.u32 $0x1, s2  }
0x6: {  	s19 =	simm.s32 $0x8000;
	s2 =	stileid.u32;
	s9 =	smul.u32 $0x2800, s8  }
0x7: {  	s20 =	simm.s32 $0x1;
	s21 =	simm.s32 $0x2;
	s10 =	smul.u32 $0x280, s2  }
0x8: {  	[smem:$0x7FF] =	sst s3;
	s4 =	sadd.s32 $0x4400, s7;
	s11 =	smul.u32 $0x50000, s2  }
0x9: {  	s5 =	sadd.s32 $0xCC400, s7;
	s28 =	ssub.s32 $0x2, s8;
	s8 =	smul.u32 $0x1400, s8  }
0xa: {  	s6 =	sadd.s32 $0xF4400, s7;
	_ =	strace $0x8000004A;
	s13 =	smul.u32 $0x140, s2  }
0xb: {  	s30 =	sshll.u32 s2, $0x6;
	s12 =	sshrl.u32 s28, $0x1;
	s9 =	sadd.s32 s10, s9  }
0xc: {  	s12 =	ssub.s32 s28, s12;
	s29 =	sshrl.u32 s11, $0x2;
	s31 =	sadd.s32 s13, s8  }
0xd: {  	s8 =	sor.u32 $0x1C03, s30;
	s13 =	simm.s32 $0x3;
	s9 =	sshll.u32 s9, $0x4  }
0xe: {  	s15 =	sadd.s32 s29, s1;
	s11 =	smax.u32 s12, $0x1;
	s14 =	sadd.s32 s9, s7  }
0xf: {  	s7 =	sadd.s32 s4, s9;
	s9 =	sshll.u32 s31, $0x4;
	s12 =	sshrl.u32 s15, $0x3  }
0x10: {  	s15 =	simm.s32 $0x40;
	s10 =	sadd.s32 $0x54400, s14;
	s14 =	simm.s32 $0x1000  }
.LBB2_1:
0x11: {  	[spmem:s12], [sflag:s8] =	dma.local [hbm:s7], $0x2800  }
0x12: {  	_ =	swait.ge [sflag:s13], $0x2800  }
0x13: {  	[sflag:s13] =	ssyncset.done $0x0  }
0x14: {  	[sflag:s13] =	ssyncadd.s32 $0xFFFFD800  }
0x15: {  	s22 =	simm.s32 $0x0;
	[bflag:$0x0] =	sbarrier.arrive $0xFFFF  }
.LBB2_2:
0x16: {  	s23 =	sshll.u32 s22, $0x9  }
0x17: {  	s23 =	sadd.s32 s9, s23  }
0x18: {  	s25 =	simm.s32 $0x0;
	s24 =	sadd.s32 s5, s23  }
0x19: {  	[tilespmem:s25], [sflag:$0x3] =	stream.linear.gather [hbm4b:s24+s25], $0x1000, $0x38;
	[tilespmem:$0x1E000] =	vst v63  }
0x1a: {  	_ =	swait.ge [sflag:s13], $0x1000  }
0x1b: {  	[sflag:s13] =	ssyncset.done $0x0  }
0x1c: {  	s23 =	sadd.s32 s6, s23;
	[sflag:s13] =	ssyncadd.s32 $0xFFFFF000  }
0x1d: {  	[tilespmem:s14], [sflag:$0x3] =	stream.linear.gather [hbm4b:s23+s25], $0x1000, $0x38;
	[tilespmem:$0x1E000] =	vst v63  }
0x1e: {  	_ =	swait.ge [sflag:s13], $0x1000  }
0x1f: {  	[sflag:s13] =	ssyncset.done $0x0  }
0x20: {  	s31 =	simm.s32 $0x0;
	[sflag:s13] =	ssyncadd.s32 $0xFFFFF000  }
0x21: {  	[tilespmem:s16], [sflag:$0x1] =	stream.indirect.gather [hbm4b:s4+s15], $0x80, s31, s15, $0xb8;
	[tilespmem:$0x1E000] =	vst v63  }
0x22: {  	s24 =	simm.s32 $0x80  }
0x23: {  	[tilespmem:s17], [sflag:$0x1] =	stream.indirect.gather [hbm4b:s4+s15], $0x80, s24, s15, $0xb8;
	[tilespmem:$0x1E000] =	vst v63  }
0x24: {  	s25 =	simm.s32 $0x100  }
0x25: {  	[tilespmem:s18], [sflag:$0x1] =	stream.indirect.gather [hbm4b:s4+s15], $0x80, s25, s15, $0xb8;
	[tilespmem:$0x1E000] =	vst v63  }
0x26: {  	s26 =	simm.s32 $0x180  }
0x27: {  	[tilespmem:s19], [sflag:$0x1] =	stream.indirect.gather [hbm4b:s4+s15], $0x80, s26, s15, $0xb8;
	[tilespmem:$0x1E000] =	vst v63  }
0x28: {  	_ =	swait.ge [sflag:s20], $0x2000  }
0x29: {  	[sflag:s20] =	ssyncset.done $0x0  }
0x2a: {  	s28 =	simm.s32 $0x1000;
	[sflag:s20] =	ssyncadd.s32 $0xFFFFE000  }
0x2b: {  	[spmem:s1] =	stream.indirect.scatter.add.f32 [tilespmem:s16], [sflag:$0x2], $0x80, s28, s15, $0xb8;
	[tilespmem:$0x1E000] =	vst v63  }
0x2c: {  	_ =	swait.ge [sflag:s20], $0x2000  }
0x2d: {  	[sflag:s20] =	ssyncset.done $0x0  }
0x2e: {  	s29 =	simm.s32 $0x1080;
	[sflag:s20] =	ssyncadd.s32 $0xFFFFE000  }
0x2f: {  	[spmem:s1] =	stream.indirect.scatter.add.f32 [tilespmem:s17], [sflag:$0x2], $0x80, s29, s15, $0xb8;
	[tilespmem:$0x1E000] =	vst v63  }
0x30: {  	_ =	swait.ge [sflag:s20], $0x2000  }
0x31: {  	[sflag:s20] =	ssyncset.done $0x0  }
0x32: {  	s30 =	simm.s32 $0x1100;
	[sflag:s20] =	ssyncadd.s32 $0xFFFFE000  }
0x33: {  	[spmem:s1] =	stream.indirect.scatter.add.f32 [tilespmem:s18], [sflag:$0x2], $0x80, s30, s15, $0xb8;
	[tilespmem:$0x1E000] =	vst v63  }
0x34: {  	_ =	swait.ge [sflag:s20], $0x2000  }
0x35: {  	[sflag:s20] =	ssyncset.done $0x0  }
0x36: {  	s31 =	simm.s32 $0x1180;
	[sflag:s20] =	ssyncadd.s32 $0xFFFFE000  }
0x37: {  	[spmem:s1] =	stream.indirect.scatter.add.f32 [tilespmem:s19], [sflag:$0x2], $0x80, s31, s15, $0xb8;
	[tilespmem:$0x1E000] =	vst v63  }
0x38: {  	_ =	swait.ge [sflag:s21], $0x2000  }
0x39: {  	[sflag:s21] =	ssyncset.done $0x0  }
0x3a: {  	[sflag:s21] =	ssyncadd.s32 $0xFFFFE000  }
0x3b: {  	_ =	swait.ge [sflag:s21], $0x2000  }
0x3c: {  	[sflag:s21] =	ssyncset.done $0x0  }
0x3d: {  	[sflag:s21] =	ssyncadd.s32 $0xFFFFE000  }
0x3e: {  	_ =	swait.ge [sflag:s21], $0x2000  }
0x3f: {  	[sflag:s21] =	ssyncset.done $0x0  }
0x40: {  	[sflag:s21] =	ssyncadd.s32 $0xFFFFE000  }
0x41: {  	_ =	swait.ge [sflag:s21], $0x2000  }
0x42: {  	s23 =	simm.s32 $0x800;
	s25 =	simm.s32 $0x1000;
	[sflag:s21] =	ssyncset.done $0x0  }
.LBB2_3:
0x43: {  	s26 =	sshra.s32 s23, $0x2  }
0x44: {  	[sflag:s21] =	ssyncadd.s32 $0xFFFFE000;
	s23 =	smov.u32 s25;
	s24 =	sadd.s32 $0x800, s25  }
0x45: {  	[tilespmem:s16], [sflag:$0x1] =	stream.indirect.gather [hbm4b:s4+s15], $0x80, s26, s15, $0xb8;
	[tilespmem:$0x1E000] =	vst v63  }
0x46: {  	p0 =	sne.s32 s25, $0x3800;
	s25 =	sadd.s32 $0x80, s26  }
0x47: {  	[tilespmem:s17], [sflag:$0x1] =	stream.indirect.gather [hbm4b:s4+s15], $0x80, s25, s15, $0xb8;
	[tilespmem:$0x1E000] =	vst v63  }
0x48: {  	s25 =	sadd.s32 $0x100, s26  }
0x49: {  	[tilespmem:s18], [sflag:$0x1] =	stream.indirect.gather [hbm4b:s4+s15], $0x80, s25, s15, $0xb8;
	[tilespmem:$0x1E000] =	vst v63  }
0x4a: {  	s25 =	sadd.s32 $0x180, s26  }
0x4b: {  	[tilespmem:s19], [sflag:$0x1] =	stream.indirect.gather [hbm4b:s4+s15], $0x80, s25, s15, $0xb8;
	[tilespmem:$0x1E000] =	vst v63  }
0x4c: {  	_ =	swait.ge [sflag:s20], $0x2000  }
0x4d: {  	[sflag:s20] =	ssyncset.done $0x0  }
0x4e: {  	s25 =	sadd.s32 $0x1000, s26;
	[sflag:s20] =	ssyncadd.s32 $0xFFFFE000  }
0x4f: {  	[spmem:s1] =	stream.indirect.scatter.add.f32 [tilespmem:s16], [sflag:$0x2], $0x80, s25, s15, $0xb8;
	[tilespmem:$0x1E000] =	vst v63  }
0x50: {  	_ =	swait.ge [sflag:s20], $0x2000  }
0x51: {  	[sflag:s20] =	ssyncset.done $0x0  }
0x52: {  	s25 =	sadd.s32 $0x1080, s26;
	[sflag:s20] =	ssyncadd.s32 $0xFFFFE000  }
0x53: {  	[spmem:s1] =	stream.indirect.scatter.add.f32 [tilespmem:s17], [sflag:$0x2], $0x80, s25, s15, $0xb8;
	[tilespmem:$0x1E000] =	vst v63  }
0x54: {  	_ =	swait.ge [sflag:s20], $0x2000  }
0x55: {  	[sflag:s20] =	ssyncset.done $0x0  }
0x56: {  	s25 =	sadd.s32 $0x1100, s26;
	[sflag:s20] =	ssyncadd.s32 $0xFFFFE000  }
0x57: {  	[spmem:s1] =	stream.indirect.scatter.add.f32 [tilespmem:s18], [sflag:$0x2], $0x80, s25, s15, $0xb8;
	[tilespmem:$0x1E000] =	vst v63  }
0x58: {  	_ =	swait.ge [sflag:s20], $0x2000  }
0x59: {  	[sflag:s20] =	ssyncset.done $0x0  }
0x5a: {  	s25 =	sadd.s32 $0x1180, s26;
	[sflag:s20] =	ssyncadd.s32 $0xFFFFE000  }
0x5b: {  	[spmem:s1] =	stream.indirect.scatter.add.f32 [tilespmem:s19], [sflag:$0x2], $0x80, s25, s15, $0xb8;
	[tilespmem:$0x1E000] =	vst v63  }
0x5c: {  	_ =	swait.ge [sflag:s21], $0x2000  }
0x5d: {  	[sflag:s21] =	ssyncset.done $0x0  }
0x5e: {  	[sflag:s21] =	ssyncadd.s32 $0xFFFFE000  }
0x5f: {  	_ =	swait.ge [sflag:s21], $0x2000  }
0x60: {  	[sflag:s21] =	ssyncset.done $0x0  }
0x61: {  	[sflag:s21] =	ssyncadd.s32 $0xFFFFE000  }
.Ltmp0:
0x62: {  	_ =	swait.ge [sflag:s21], $0x2000;
	(pc) =	sbr.rel @p0 .LBB2_3-.Ltmp0, $4  }
0x63: {  	[sflag:s21] =	ssyncset.done $0x0  }
0x64: {  	[sflag:s21] =	ssyncadd.s32 $0xFFFFE000  }
0x65: {  	_ =	swait.ge [sflag:s21], $0x2000  }
0x66: {  	s25 =	smov.u32 s24;
	[sflag:s21] =	ssyncset.done $0x0  }
0x67: {  	s23 =	sshra.s32 s23, $0x2;
	[sflag:s21] =	ssyncadd.s32 $0xFFFFE000  }
0x68: {  	[tilespmem:s16], [sflag:$0x1] =	stream.indirect.gather [hbm4b:s4+s15], $0x80, s23, s15, $0xb8;
	[tilespmem:$0x1E000] =	vst v63  }
0x69: {  	s24 =	sadd.s32 $0x80, s23  }
0x6a: {  	[tilespmem:s17], [sflag:$0x1] =	stream.indirect.gather [hbm4b:s4+s15], $0x80, s24, s15, $0xb8;
	[tilespmem:$0x1E000] =	vst v63  }
0x6b: {  	s26 =	sadd.s32 $0x100, s23  }
0x6c: {  	[tilespmem:s18], [sflag:$0x1] =	stream.indirect.gather [hbm4b:s4+s15], $0x80, s26, s15, $0xb8;
	[tilespmem:$0x1E000] =	vst v63  }
0x6d: {  	s28 =	sadd.s32 $0x180, s23  }
0x6e: {  	[tilespmem:s19], [sflag:$0x1] =	stream.indirect.gather [hbm4b:s4+s15], $0x80, s28, s15, $0xb8;
	[tilespmem:$0x1E000] =	vst v63  }
0x6f: {  	_ =	swait.ge [sflag:s20], $0x2000  }
0x70: {  	[sflag:s20] =	ssyncset.done $0x0  }
0x71: {  	s29 =	sadd.s32 $0x1000, s23;
	[sflag:s20] =	ssyncadd.s32 $0xFFFFE000  }
0x72: {  	[spmem:s1] =	stream.indirect.scatter.add.f32 [tilespmem:s16], [sflag:$0x2], $0x80, s29, s15, $0xb8;
	[tilespmem:$0x1E000] =	vst v63  }
0x73: {  	_ =	swait.ge [sflag:s20], $0x2000  }
0x74: {  	[sflag:s20] =	ssyncset.done $0x0  }
0x75: {  	s30 =	sadd.s32 $0x1080, s23;
	[sflag:s20] =	ssyncadd.s32 $0xFFFFE000  }
0x76: {  	[spmem:s1] =	stream.indirect.scatter.add.f32 [tilespmem:s17], [sflag:$0x2], $0x80, s30, s15, $0xb8;
	[tilespmem:$0x1E000] =	vst v63  }
0x77: {  	_ =	swait.ge [sflag:s20], $0x2000  }
0x78: {  	[sflag:s20] =	ssyncset.done $0x0  }
0x79: {  	s31 =	sadd.s32 $0x1100, s23;
	[sflag:s20] =	ssyncadd.s32 $0xFFFFE000  }
0x7a: {  	[spmem:s1] =	stream.indirect.scatter.add.f32 [tilespmem:s18], [sflag:$0x2], $0x80, s31, s15, $0xb8;
	[tilespmem:$0x1E000] =	vst v63  }
0x7b: {  	_ =	swait.ge [sflag:s20], $0x2000  }
0x7c: {  	[sflag:s20] =	ssyncset.done $0x0  }
0x7d: {  	s23 =	sadd.s32 $0x1180, s23;
	[sflag:s20] =	ssyncadd.s32 $0xFFFFE000  }
0x7e: {  	[spmem:s1] =	stream.indirect.scatter.add.f32 [tilespmem:s19], [sflag:$0x2], $0x80, s23, s15, $0xb8;
	[tilespmem:$0x1E000] =	vst v63  }
0x7f: {  	_ =	swait.ge [sflag:s21], $0x2000  }
0x80: {  	[sflag:s21] =	ssyncset.done $0x0  }
0x81: {  	[sflag:s21] =	ssyncadd.s32 $0xFFFFE000  }
0x82: {  	_ =	swait.ge [sflag:s21], $0x2000  }
0x83: {  	[sflag:s21] =	ssyncset.done $0x0  }
0x84: {  	s22 =	sadd.s32 $0x1, s22;
	[sflag:s21] =	ssyncadd.s32 $0xFFFFE000  }
0x85: {  	p0 =	sne.s32 s22, $0xA;
	_ =	swait.ge [sflag:s21], $0x2000  }
.Ltmp1:
0x86: {  	[sflag:s21] =	ssyncset.done $0x0;
	(pc) =	sbr.rel @p0 .LBB2_2-.Ltmp1, $4  }
0x87: {  	[sflag:s21] =	ssyncadd.s32 $0xFFFFE000  }
0x88: {  	_ =	swait.ge [sflag:s21], $0x2000  }
0x89: {  	[sflag:s21] =	ssyncset.done $0x0  }
0x8a: {  	[sflag:s21] =	ssyncadd.s32 $0xFFFFE000  }
0x8b: {  	s3 =	sadd.s32 $0x1, s3  }
0x8c: {  	p0 =	sne.s32 s3, s11  }
.Ltmp2:
0x8d: {  	[bflag:$0x0] =	sbarrier.arrive $0xFFFF;
	(pc) =	sbr.rel @p0 .LBB2_1-.Ltmp2, $4  }
0x8e: {  	[hbm:s10], [sflag:s8] =	dma.local [spmem:s12], $0x2800  }
0x8f: {  	_ =	swait.ge [sflag:s13], $0x2800  }
0x90: {  	[sflag:s13] =	ssyncset.done $0x0  }
0x91: {  	[sflag:s13] =	ssyncadd.s32 $0xFFFFD800  }
0x92: {  	_ =	sfence.sel $0x180000  }
0x93: {  	[bflag:$0x0] =	sbarrier.arrive $0xFFFF  }
0x94: {  	p0 =	sne.s32 s2, $0x0;
	_ =	strace $0x9000004A  }
0x95: {  	s0 =	sadd.s32 @!p0 $0x100000, s0;
	[bflag:$0x2] =	sbarrier.arrive $0xFFFF  }
0x96: {  	[sflag:s0] =	ssyncadd.tile.s32 @!p0 $0x1;
	_ =	shalt  }
.Lfunc_end2:
_tile_overlayer_lowered:
.L_overlay_start_2:
0x97: {  	(tag) =	ssettag $0x2  }
0x98: {  	s0 =	rddreg [dreg:$0x0];
	s2 =	stileid.u32  }
0x99: {  	s1 =	rddreg [dreg:$0x1];
	p0 =	sne.s32 s2, $0x0  }
0x9a: {  	s3 =	rddreg [dreg:$0x2];
	[bflag:$0x3] =	sbarrier.arrive $0xFFFF;
	s2 =	simm.s32 @!p0 $0x1C03  }
0x9b: {  	[timem:s3], [sflag:s2] =	dma.local @!p0 [hbm:s0], s1  }
0x9c: {  	s0 =	simm.s32 @!p0 $0x3  }
0x9d: {  	_ =	swait.ge @!p0 [sflag:s0], s1  }
0x9e: {  	s1 =	ssub.s32 @!p0 $0x0, s1;
	[sflag:s0] =	ssyncset.done @!p0 $0x0  }
0x9f: {  	[sflag:s0] =	ssyncadd.s32 @!p0 s1  }
0xa0: {  	[bflag:$0x3] =	sbarrier.arrive $0xFFFF  }
0xa1: {  	_ =	shalt  }

// kernel: gin_agg_k320.7.cloned.1.call-start
scs
__scs_entry_jumppad:
0x0: {  	(pc) =	sbr.rel $0x88, $3  }
0x1: {  	(tag) =	ssettag $0x0;
	lr =	simm.s32 $0x1  }
0x2: {  	[smem:$0x3F88] =	sst lr;
	_ =	strace $0xD0000000  }
0x3: {  	_ = 	snop  }
0x4: {  	_ = 	snop  }
0x5: {  	_ = 	snop  }
0x6: {  	_ = 	snop  }
0x7: {  	_ = 	snop  }
__scs_overlays_trampoline_lowered:
0x8: {  	[smem:$0x3F97] =	sst s0  }
0x9: {  	[smem:$0x3F98] =	sst s1  }
0xa: {  	[smem:$0x3F99] =	sst s2  }
0xb: {  	[smem:$0x3F9A] =	sst s3  }
0xc: {  	[smem:$0x3F9B] =	sst s4  }
0xd: {  	[smem:$0x3F9C] =	sst s5  }
0xe: {  	[smem:$0x3F9D] =	sst s6  }
0xf: {  	[smem:$0x3F9E] =	sst s7  }
0x10: {  	[smem:$0x3F9F] =	sst s8  }
0x11: {  	[smem:$0x3FA0] =	sst s9;
	s0 =	simm.s32 @!p0 $0x0  }
0x12: {  	s1 =	sld [smem:$0x3F86];
	s0 =	simm.s32 @p0 $0x1  }
0x13: {  	[smem:$0x3FA1] =	sst s0;
	s0 =	simm.s32 @!p1 $0x0  }
0x14: {  	s2 =	sld [smem:$0x3F85];
	s0 =	simm.s32 @p1 $0x1  }
0x15: {  	[smem:$0x3FA2] =	sst s0;
	s0 =	simm.s32 @!p2 $0x0  }
0x16: {  	s3 =	sld [smem:$0x3FDB];
	s0 =	simm.s32 @p2 $0x1  }
0x17: {  	s4 =	simm.s32 $0x1BF5;
	[smem:$0x3FA4] =	sst s0  }
0x18: {  	s0 =	sld [smem:$0x3F87];
	_ =	swait.ge [sflag:s4], $0x0  }
0x19: {  	s7 =	sld [smem:$0x3F88]  }
0x1a: {  	s8 =	sadd.s32 $0xFFFFE003, lr  }
0x1b: {  	s9 =	sadd.s32 $0xFFFFFEF7, lr;
	s5 =	simm.s32 $0xFFFFFFFF;
	p2 =	slt.u32 s8, $0xFFFFF086  }
0x1c: {  	p1 =	slt.u32 s9, $0xF7A;
	s5 =	simm.s32 @!p2 $0x0  }
0x1d: {  	s5 =	simm.s32 @p1 $0x1;
	p0 =	seq.s32 s7, s2  }
0x1e: {  	s7 =	smul.u32 @!p0 $0xF7A, s2;
	p2 =	seq.s32 @!p0 s5, $0x0  }
0x1f: {  	s9 =	smul.u32 $0xF7A, s1;
	s8 =	simm.s32 @!p0 $0x1BF5;
	p2 =	por !p2, p0  }
0x20: {  	[sflag:s8] =	ssyncset.s32 @!p0 $0xFFFFF086;
	s6 =	sadd.s32 @!p0 s3, s7;
	s7 =	simm.s32 @!p0 $0x108  }
0x21: {  	s3 =	sadd.s32 s3, s9;
	s6 =	sadd.s32 @!p0 $0x88, s6;
	s7 =	simm.s32 @p2 $0x1082  }
0x22: {  	[simem:s7], [sflag:s8] =	dma.local @!p0 [hbm:s6], $0xF7A  }
0x23: {  	s9 =	sor.u32 $0xD0000000, s2;
	s6 =	simm.s32 $0x108;
	_ =	swait.ge @!p0 [sflag:s8], $0x0  }
0x24: {  	s3 =	sadd.s32 $0x88, s3;
	s6 =	simm.s32 @!p1 $0x1082;
	[sflag:s4] =	ssyncset.s32 $0xFFFFF086  }
0x25: {  	[simem:s6], [sflag:s4] =	dma.local [hbm:s3], $0xF7A  }
0x26: {  	[smem:$0x3F88] =	sst s1;
	(tag) =	ssettag s2;
	_ =	strace s9  }
0x27: {  	s1 =	sld [smem:$0x3F98]  }
0x28: {  	s2 =	sld [smem:$0x3F99]  }
0x29: {  	s4 =	sld [smem:$0x3F9B]  }
0x2a: {  	p0 =	seq.s32 s5, $0x0;
	s5 =	sld [smem:$0x3F9C]  }
0x2b: {  	s6 =	sld [smem:$0x3F9D]  }
0x2c: {  	s7 =	sld [smem:$0x3F9E]  }
0x2d: {  	s3 =	simm.s32 $0x108;
	s8 =	sld [smem:$0x3F9F]  }
0x2e: {  	s3 =	simm.s32 @!p0 $0x1082;
	s9 =	sld [smem:$0x3FA0]  }
0x2f: {  	lr =	sadd.s32 s0, s3;
	s0 =	sld [smem:$0x3F97]  }
0x30: {  	s3 =	sld [smem:$0x3F9A]  }
0x31: {  	[smem:$0x3FA3] =	sst s10  }
0x32: {  	s10 =	sld [smem:$0x3FA1];
	_ =	sdelay $0x3  }
0x33: {  	p0 =	seq.s32 s10, $0x1;
	s10 =	sld [smem:$0x3FA3];
	_ =	sdelay $0x3  }
0x34: {  	[smem:$0x3FA3] =	sst s10  }
0x35: {  	s10 =	sld [smem:$0x3FA2];
	_ =	sdelay $0x3  }
0x36: {  	p1 =	seq.s32 s10, $0x1;
	s10 =	sld [smem:$0x3FA3];
	_ =	sdelay $0x3  }
0x37: {  	[smem:$0x3FA3] =	sst s10  }
0x38: {  	s10 =	sld [smem:$0x3FA4]  }
0x39: {  	_ = 	snop;
	(pc) =	sbr.ind lr, $3  }
0x3a: {  	_ = 	snop  }
0x3b: {  	_ = 	snop  }
0x3c: {  	p2 =	seq.s32 s10, $0x1;
	s10 =	sld [smem:$0x3FA3]  }
0x3d: {  	_ =	shalt  }
0x3e: {  	_ =	shalt  }
0x3f: {  	_ =	shalt  }
0x40: {  	_ =	shalt  }
0x41: {  	_ =	shalt  }
0x42: {  	_ =	shalt  }
0x43: {  	_ =	shalt  }
0x44: {  	_ =	shalt  }
0x45: {  	_ =	shalt  }
0x46: {  	_ =	shalt  }
0x47: {  	_ =	shalt  }
0x48: {  	_ =	shalt  }
0x49: {  	_ =	shalt  }
0x4a: {  	_ =	shalt  }
0x4b: {  	_ =	shalt  }
0x4c: {  	_ =	shalt  }
0x4d: {  	_ =	shalt  }
0x4e: {  	_ =	shalt  }
0x4f: {  	_ =	shalt  }
0x50: {  	_ =	shalt  }
0x51: {  	_ =	shalt  }
0x52: {  	_ =	shalt  }
0x53: {  	_ =	shalt  }
0x54: {  	_ =	shalt  }
0x55: {  	_ =	shalt  }
0x56: {  	_ =	shalt  }
0x57: {  	_ =	shalt  }
0x58: {  	_ =	shalt  }
0x59: {  	_ =	shalt  }
0x5a: {  	_ =	shalt  }
0x5b: {  	_ =	shalt  }
0x5c: {  	_ =	shalt  }
0x5d: {  	_ =	shalt  }
0x5e: {  	_ =	shalt  }
0x5f: {  	_ =	shalt  }
0x60: {  	_ =	shalt  }
0x61: {  	_ =	shalt  }
0x62: {  	_ =	shalt  }
0x63: {  	_ =	shalt  }
0x64: {  	_ =	shalt  }
0x65: {  	_ =	shalt  }
0x66: {  	_ =	shalt  }
0x67: {  	_ =	shalt  }
0x68: {  	_ =	shalt  }
0x69: {  	_ =	shalt  }
0x6a: {  	_ =	shalt  }
0x6b: {  	_ =	shalt  }
0x6c: {  	_ =	shalt  }
0x6d: {  	_ =	shalt  }
0x6e: {  	_ =	shalt  }
0x6f: {  	_ =	shalt  }
0x70: {  	_ =	shalt  }
0x71: {  	_ =	shalt  }
0x72: {  	_ =	shalt  }
0x73: {  	_ =	shalt  }
0x74: {  	_ =	shalt  }
0x75: {  	_ =	shalt  }
0x76: {  	_ =	shalt  }
0x77: {  	_ =	shalt  }
0x78: {  	_ =	shalt  }
0x79: {  	_ =	shalt  }
0x7a: {  	_ =	shalt  }
0x7b: {  	_ =	shalt  }
0x7c: {  	_ =	shalt  }
0x7d: {  	_ =	shalt  }
0x7e: {  	_ =	shalt  }
0x7f: {  	_ =	shalt  }
0x80: {  	_ =	shalt  }
0x81: {  	_ =	shalt  }
0x82: {  	_ =	shalt  }
0x83: {  	_ =	shalt  }
0x84: {  	_ =	shalt  }
0x85: {  	_ =	shalt  }
0x86: {  	_ =	shalt  }
0x87: {  	_ =	shalt  }
.Lfunc_end0:
.L_simem_size_0:
called_computation.2_lowered:
.L_overlay_start_0:
0x88: {  	s2 =	sld [smem:$0x3FD9]  }
0x89: {  	s3 =	sld [smem:$0x3FFE];
	_ =	sdelay $0x1  }
0x8a: {  	s1 =	srdreg.scid  }
0x8b: {  	s0 =	sand.u32 $0x1, s1  }
0x8c: {  	s16 =	sshll.u32 s0, $0xA;
	s2 =	sadd.s32 s3, s2  }
0x8d: {  	s2 =	sadd.s32 s2, s16  }
0x8e: {  	[smem:$0x3FAF] =	sst s2  }
0x8f: {  	_ = 	snop  }
0x90: {  	(tm) =	ssettm $0x1  }
0x91: {  	s17 =	sld [smem:$0x3FFB];
	_ =	sdelay $0x3  }
0x92: {  	_ =	strace s17  }
0x93: {  	s2 =	sld [smem:$0x3FFC];
	_ =	sdelay $0x3  }
0x94: {  	_ =	strace s2  }
0x95: {  	s2 =	sld [smem:$0x3FFD];
	_ =	sdelay $0x3  }
0x96: {  	_ =	strace s2  }
0x97: {  	_ =	strace $0x8FFFFFFF  }
0x98: {  	s18 =	sld [smem:$0x3FDB];
	_ =	sdelay $0x1  }
0x99: {  	s19 =	simm.s32 $_scs_section_size  }
0x9a: {  	s4 =	simm.s32 $_size__tile_overlayer_lowered;
	s5 =	simm.s32 $_tile_overlayer_lowered  }
0x9b: {  	s22 =	simm.s32 $0x1BFF;
	s21 =	sshll.u32 s5, $0x1;
	s2 =	sadd.s32 s19, s18  }
0x9c: {  	s6 =	simm.s32 $0x0;
	s20 =	sshll.u32 s4, $0x1;
	s4 =	sadd.s32 s21, s2  }
0x9d: {  	[timem:s6], [sflag:s22] =	dma.local [hbm:s4], s20  }
0x9e: {  	_ =	swait.ge [sflag:s22], s20  }
0x9f: {  	s3 =	ssub.s32 $0x0, s20;
	[sflag:s22] =	ssyncset.done $0x0  }
0xa0: {  	[sflag:s22] =	ssyncadd.s32 s3;
	_ =	sdelay $0x1  }
0xa1: {  	s23 =	simm.s32 $0x1B8B  }
0xa2: {  	_ =	swait.ge [sflag:s23], $0x1  }
0xa3: {  	[sflag:s23] =	ssyncset.done $0x0  }
0xa4: {  	s25 =	simm.s32 $0x1B8E;
	s24 =	sld [smem:$0x3FFE];
	[sflag:s23] =	ssyncadd.s32 $0xFFFFFFFF  }
0xa5: {  	s26 =	simm.s32 $execute0_lowered;
	[smem:$0x3FD2] =	sst s25  }
0xa6: {  	s4 =	sshll.u32 s26, $0x1;
	_ =	strace $0x8000004C;
	[dreg:$0x1] =	wrdreg $0xFFFFFFFF  }
0xa7: {  	s28 =	simm.s32 $_size_execute0_lowered;
	s2 =	sadd.s32 s2, s4;
	[dreg:$0x0] =	wrdreg $0x0  }
0xa8: {  	s4 =	sshll.u32 s28, $0x1;
	[dreg:$0x2] =	wrdreg s2  }
0xa9: {  	[dreg:$0x3] =	wrdreg s4  }
0xaa: {  	[dreg:$0x4] =	wrdreg $0xC0  }
0xab: {  	_ =	task [dreg:s6], $0x5FFFF  }
0xac: {  	[dreg:$0x1] =	wrdreg $0xFFFFFFFF  }
0xad: {  	[dreg:$0x0] =	wrdreg $0x60  }
0xae: {  	[dreg:$0x2] =	wrdreg s24  }
0xaf: {  	[dreg:$0x3] =	wrdreg $0xA0000  }
0xb0: {  	[dreg:$0x4] =	wrdreg $0x9  }
0xb1: {  	_ =	task.clear_ibuf [dreg:s6], $0x5FFFF;
	_ =	strace $0x9000004C  }
0xb2: {  	s29 =	simm.s32 $0x9;
	_ =	strace $0x8000004E  }
0xb3: {  	_ =	swait.ge [sflag:s29], $0x1  }
0xb4: {  	[sflag:s29] =	ssyncadd.s32 $0xFFFFFFFF  }
0xb5: {  	_ =	strace $0x9000004E  }
0xb6: {  	_ =	sfence  }
0xb7: {  	s30 =	sld [smem:$0x0];
	_ =	sdelay $0x2  }
0xb8: {  	s31 =	sshll.u32 s1, $0xD;
	s1 =	sshrl.u32 s1, $0x2  }
0xb9: {  	s3 =	sand.u32 $0x4000, s31;
	s1 =	sadd.s32 s1, s30  }
0xba: {  	s0 =	sor.u32 s3, s0;
	s1 =	sshll.u32 s1, $0x11  }
0xbb: {  	s0 =	sor.u32 s1, s0  }
0xbc: {  	s0 =	sadd.s32 $0x8F2B, s0  }
0xbd: {  	[sflag:s0] =	ssyncadd.remote.s32 $0x1  }
0xbe: {  	_ =	sfence.sel $0xFFFF  }
0xbf: {  	[dreg:$0x0] =	wrdreg $0xFFFFFFFF;
	(pc) =	sbr.abs _section_cstart, $3  }
0xc0: {  	[dreg:$0x1] =	wrdreg $0xFFFFFFFF  }
0xc1: {  	_ =	task.clear_ibuf [dreg:s6], $0x2FFFF;
	_ =	strace $0x9FFFFFFF  }
0xc2: {  	(tm) =	ssettm $0x7FFFFFFF  }
0xc3: {  	_ =	shalt  }
tec
execute0_lowered:
.L_overlay_start_1:
0x0: {  	(tag) =	ssettag $0x1  }
0x1: {  	s7 =	rddreg [dreg:$0x0]  }
0x2: {  	s1 =	rddreg [dreg:$0x1]  }
0x3: {  	s0 =	rddreg [dreg:$0x2]  }
0x4: {  	s3 =	simm.s32 $0x0;
	s2 =	srdreg.scid;
	s16 =	simm.s32 $0x2000  }
0x5: {  	s17 =	simm.s32 $0x4000;
	s18 =	simm.s32 $0x6000;
	s8 =	sand.u32 $0x1, s2  }
0x6: {  	s19 =	simm.s32 $0x8000;
	s2 =	stileid.u32;
	s9 =	smul.u32 $0x2800, s8  }
0x7: {  	s20 =	simm.s32 $0x1;
	s21 =	simm.s32 $0x2;
	s10 =	smul.u32 $0x280, s2  }
0x8: {  	[smem:$0x7FF] =	sst s3;
	s4 =	sadd.s32 $0x4400, s7;
	s11 =	smul.u32 $0x50000, s2  }
0x9: {  	s5 =	sadd.s32 $0xCC400, s7;
	s28 =	ssub.s32 $0x2, s8;
	s8 =	smul.u32 $0x1400, s8  }
0xa: {  	s6 =	sadd.s32 $0xF4400, s7;
	_ =	strace $0x8000004D;
	s13 =	smul.u32 $0x140, s2  }
0xb: {  	s30 =	sshll.u32 s2, $0x6;
	s12 =	sshrl.u32 s28, $0x1;
	s9 =	sadd.s32 s10, s9  }
0xc: {  	s12 =	ssub.s32 s28, s12;
	s29 =	sshrl.u32 s11, $0x2;
	s31 =	sadd.s32 s13, s8  }
0xd: {  	s8 =	sor.u32 $0x1C03, s30;
	s13 =	simm.s32 $0x3;
	s9 =	sshll.u32 s9, $0x4  }
0xe: {  	s15 =	sadd.s32 s29, s1;
	s11 =	smax.u32 s12, $0x1;
	s14 =	sadd.s32 s9, s7  }
0xf: {  	s7 =	sadd.s32 s4, s9;
	s9 =	sshll.u32 s31, $0x4;
	s12 =	sshrl.u32 s15, $0x3  }
0x10: {  	s15 =	simm.s32 $0x40;
	s10 =	sadd.s32 $0x54400, s14;
	s14 =	simm.s32 $0x1000  }
.LBB2_1:
0x11: {  	[spmem:s12], [sflag:s8] =	dma.local [hbm:s7], $0x2800  }
0x12: {  	_ =	swait.ge [sflag:s13], $0x2800  }
0x13: {  	[sflag:s13] =	ssyncset.done $0x0  }
0x14: {  	[sflag:s13] =	ssyncadd.s32 $0xFFFFD800  }
0x15: {  	s22 =	simm.s32 $0x0;
	[bflag:$0x0] =	sbarrier.arrive $0xFFFF  }
.LBB2_2:
0x16: {  	s23 =	sshll.u32 s22, $0x9  }
0x17: {  	s23 =	sadd.s32 s9, s23  }
0x18: {  	s25 =	simm.s32 $0x0;
	s24 =	sadd.s32 s5, s23  }
0x19: {  	[tilespmem:s25], [sflag:$0x3] =	stream.linear.gather [hbm4b:s24+s25], $0x1000, $0x38;
	[tilespmem:$0x1E000] =	vst v63  }
0x1a: {  	_ =	swait.ge [sflag:s13], $0x1000  }
0x1b: {  	[sflag:s13] =	ssyncset.done $0x0  }
0x1c: {  	s23 =	sadd.s32 s6, s23;
	[sflag:s13] =	ssyncadd.s32 $0xFFFFF000  }
0x1d: {  	[tilespmem:s14], [sflag:$0x3] =	stream.linear.gather [hbm4b:s23+s25], $0x1000, $0x38;
	[tilespmem:$0x1E000] =	vst v63  }
0x1e: {  	_ =	swait.ge [sflag:s13], $0x1000  }
0x1f: {  	[sflag:s13] =	ssyncset.done $0x0  }
0x20: {  	s31 =	simm.s32 $0x0;
	[sflag:s13] =	ssyncadd.s32 $0xFFFFF000  }
0x21: {  	[tilespmem:s16], [sflag:$0x1] =	stream.indirect.gather [hbm4b:s4+s15], $0x80, s31, s15, $0xb8;
	[tilespmem:$0x1E000] =	vst v63  }
0x22: {  	s24 =	simm.s32 $0x80  }
0x23: {  	[tilespmem:s17], [sflag:$0x1] =	stream.indirect.gather [hbm4b:s4+s15], $0x80, s24, s15, $0xb8;
	[tilespmem:$0x1E000] =	vst v63  }
0x24: {  	s25 =	simm.s32 $0x100  }
0x25: {  	[tilespmem:s18], [sflag:$0x1] =	stream.indirect.gather [hbm4b:s4+s15], $0x80, s25, s15, $0xb8;
	[tilespmem:$0x1E000] =	vst v63  }
0x26: {  	s26 =	simm.s32 $0x180  }
0x27: {  	[tilespmem:s19], [sflag:$0x1] =	stream.indirect.gather [hbm4b:s4+s15], $0x80, s26, s15, $0xb8;
	[tilespmem:$0x1E000] =	vst v63  }
0x28: {  	_ =	swait.ge [sflag:s20], $0x2000  }
0x29: {  	[sflag:s20] =	ssyncset.done $0x0  }
0x2a: {  	s28 =	simm.s32 $0x1000;
	[sflag:s20] =	ssyncadd.s32 $0xFFFFE000  }
0x2b: {  	[spmem:s1] =	stream.indirect.scatter.add.f32 [tilespmem:s16], [sflag:$0x2], $0x80, s28, s15, $0xb8;
	[tilespmem:$0x1E000] =	vst v63  }
0x2c: {  	_ =	swait.ge [sflag:s20], $0x2000  }
0x2d: {  	[sflag:s20] =	ssyncset.done $0x0  }
0x2e: {  	s29 =	simm.s32 $0x1080;
	[sflag:s20] =	ssyncadd.s32 $0xFFFFE000  }
0x2f: {  	[spmem:s1] =	stream.indirect.scatter.add.f32 [tilespmem:s17], [sflag:$0x2], $0x80, s29, s15, $0xb8;
	[tilespmem:$0x1E000] =	vst v63  }
0x30: {  	_ =	swait.ge [sflag:s20], $0x2000  }
0x31: {  	[sflag:s20] =	ssyncset.done $0x0  }
0x32: {  	s30 =	simm.s32 $0x1100;
	[sflag:s20] =	ssyncadd.s32 $0xFFFFE000  }
0x33: {  	[spmem:s1] =	stream.indirect.scatter.add.f32 [tilespmem:s18], [sflag:$0x2], $0x80, s30, s15, $0xb8;
	[tilespmem:$0x1E000] =	vst v63  }
0x34: {  	_ =	swait.ge [sflag:s20], $0x2000  }
0x35: {  	[sflag:s20] =	ssyncset.done $0x0  }
0x36: {  	s31 =	simm.s32 $0x1180;
	[sflag:s20] =	ssyncadd.s32 $0xFFFFE000  }
0x37: {  	[spmem:s1] =	stream.indirect.scatter.add.f32 [tilespmem:s19], [sflag:$0x2], $0x80, s31, s15, $0xb8;
	[tilespmem:$0x1E000] =	vst v63  }
0x38: {  	_ =	swait.ge [sflag:s21], $0x2000  }
0x39: {  	[sflag:s21] =	ssyncset.done $0x0  }
0x3a: {  	[sflag:s21] =	ssyncadd.s32 $0xFFFFE000  }
0x3b: {  	_ =	swait.ge [sflag:s21], $0x2000  }
0x3c: {  	[sflag:s21] =	ssyncset.done $0x0  }
0x3d: {  	[sflag:s21] =	ssyncadd.s32 $0xFFFFE000  }
0x3e: {  	_ =	swait.ge [sflag:s21], $0x2000  }
0x3f: {  	[sflag:s21] =	ssyncset.done $0x0  }
0x40: {  	[sflag:s21] =	ssyncadd.s32 $0xFFFFE000  }
0x41: {  	_ =	swait.ge [sflag:s21], $0x2000  }
0x42: {  	s23 =	simm.s32 $0x800;
	s25 =	simm.s32 $0x1000;
	[sflag:s21] =	ssyncset.done $0x0  }
.LBB2_3:
0x43: {  	s26 =	sshra.s32 s23, $0x2  }
0x44: {  	[sflag:s21] =	ssyncadd.s32 $0xFFFFE000;
	s23 =	smov.u32 s25;
	s24 =	sadd.s32 $0x800, s25  }
0x45: {  	[tilespmem:s16], [sflag:$0x1] =	stream.indirect.gather [hbm4b:s4+s15], $0x80, s26, s15, $0xb8;
	[tilespmem:$0x1E000] =	vst v63  }
0x46: {  	p0 =	sne.s32 s25, $0x3800;
	s25 =	sadd.s32 $0x80, s26  }
0x47: {  	[tilespmem:s17], [sflag:$0x1] =	stream.indirect.gather [hbm4b:s4+s15], $0x80, s25, s15, $0xb8;
	[tilespmem:$0x1E000] =	vst v63  }
0x48: {  	s25 =	sadd.s32 $0x100, s26  }
0x49: {  	[tilespmem:s18], [sflag:$0x1] =	stream.indirect.gather [hbm4b:s4+s15], $0x80, s25, s15, $0xb8;
	[tilespmem:$0x1E000] =	vst v63  }
0x4a: {  	s25 =	sadd.s32 $0x180, s26  }
0x4b: {  	[tilespmem:s19], [sflag:$0x1] =	stream.indirect.gather [hbm4b:s4+s15], $0x80, s25, s15, $0xb8;
	[tilespmem:$0x1E000] =	vst v63  }
0x4c: {  	_ =	swait.ge [sflag:s20], $0x2000  }
0x4d: {  	[sflag:s20] =	ssyncset.done $0x0  }
0x4e: {  	s25 =	sadd.s32 $0x1000, s26;
	[sflag:s20] =	ssyncadd.s32 $0xFFFFE000  }
0x4f: {  	[spmem:s1] =	stream.indirect.scatter.add.f32 [tilespmem:s16], [sflag:$0x2], $0x80, s25, s15, $0xb8;
	[tilespmem:$0x1E000] =	vst v63  }
0x50: {  	_ =	swait.ge [sflag:s20], $0x2000  }
0x51: {  	[sflag:s20] =	ssyncset.done $0x0  }
0x52: {  	s25 =	sadd.s32 $0x1080, s26;
	[sflag:s20] =	ssyncadd.s32 $0xFFFFE000  }
0x53: {  	[spmem:s1] =	stream.indirect.scatter.add.f32 [tilespmem:s17], [sflag:$0x2], $0x80, s25, s15, $0xb8;
	[tilespmem:$0x1E000] =	vst v63  }
0x54: {  	_ =	swait.ge [sflag:s20], $0x2000  }
0x55: {  	[sflag:s20] =	ssyncset.done $0x0  }
0x56: {  	s25 =	sadd.s32 $0x1100, s26;
	[sflag:s20] =	ssyncadd.s32 $0xFFFFE000  }
0x57: {  	[spmem:s1] =	stream.indirect.scatter.add.f32 [tilespmem:s18], [sflag:$0x2], $0x80, s25, s15, $0xb8;
	[tilespmem:$0x1E000] =	vst v63  }
0x58: {  	_ =	swait.ge [sflag:s20], $0x2000  }
0x59: {  	[sflag:s20] =	ssyncset.done $0x0  }
0x5a: {  	s25 =	sadd.s32 $0x1180, s26;
	[sflag:s20] =	ssyncadd.s32 $0xFFFFE000  }
0x5b: {  	[spmem:s1] =	stream.indirect.scatter.add.f32 [tilespmem:s19], [sflag:$0x2], $0x80, s25, s15, $0xb8;
	[tilespmem:$0x1E000] =	vst v63  }
0x5c: {  	_ =	swait.ge [sflag:s21], $0x2000  }
0x5d: {  	[sflag:s21] =	ssyncset.done $0x0  }
0x5e: {  	[sflag:s21] =	ssyncadd.s32 $0xFFFFE000  }
0x5f: {  	_ =	swait.ge [sflag:s21], $0x2000  }
0x60: {  	[sflag:s21] =	ssyncset.done $0x0  }
0x61: {  	[sflag:s21] =	ssyncadd.s32 $0xFFFFE000  }
.Ltmp0:
0x62: {  	_ =	swait.ge [sflag:s21], $0x2000;
	(pc) =	sbr.rel @p0 .LBB2_3-.Ltmp0, $4  }
0x63: {  	[sflag:s21] =	ssyncset.done $0x0  }
0x64: {  	[sflag:s21] =	ssyncadd.s32 $0xFFFFE000  }
0x65: {  	_ =	swait.ge [sflag:s21], $0x2000  }
0x66: {  	s25 =	smov.u32 s24;
	[sflag:s21] =	ssyncset.done $0x0  }
0x67: {  	s23 =	sshra.s32 s23, $0x2;
	[sflag:s21] =	ssyncadd.s32 $0xFFFFE000  }
0x68: {  	[tilespmem:s16], [sflag:$0x1] =	stream.indirect.gather [hbm4b:s4+s15], $0x80, s23, s15, $0xb8;
	[tilespmem:$0x1E000] =	vst v63  }
0x69: {  	s24 =	sadd.s32 $0x80, s23  }
0x6a: {  	[tilespmem:s17], [sflag:$0x1] =	stream.indirect.gather [hbm4b:s4+s15], $0x80, s24, s15, $0xb8;
	[tilespmem:$0x1E000] =	vst v63  }
0x6b: {  	s26 =	sadd.s32 $0x100, s23  }
0x6c: {  	[tilespmem:s18], [sflag:$0x1] =	stream.indirect.gather [hbm4b:s4+s15], $0x80, s26, s15, $0xb8;
	[tilespmem:$0x1E000] =	vst v63  }
0x6d: {  	s28 =	sadd.s32 $0x180, s23  }
0x6e: {  	[tilespmem:s19], [sflag:$0x1] =	stream.indirect.gather [hbm4b:s4+s15], $0x80, s28, s15, $0xb8;
	[tilespmem:$0x1E000] =	vst v63  }
0x6f: {  	_ =	swait.ge [sflag:s20], $0x2000  }
0x70: {  	[sflag:s20] =	ssyncset.done $0x0  }
0x71: {  	s29 =	sadd.s32 $0x1000, s23;
	[sflag:s20] =	ssyncadd.s32 $0xFFFFE000  }
0x72: {  	[spmem:s1] =	stream.indirect.scatter.add.f32 [tilespmem:s16], [sflag:$0x2], $0x80, s29, s15, $0xb8;
	[tilespmem:$0x1E000] =	vst v63  }
0x73: {  	_ =	swait.ge [sflag:s20], $0x2000  }
0x74: {  	[sflag:s20] =	ssyncset.done $0x0  }
0x75: {  	s30 =	sadd.s32 $0x1080, s23;
	[sflag:s20] =	ssyncadd.s32 $0xFFFFE000  }
0x76: {  	[spmem:s1] =	stream.indirect.scatter.add.f32 [tilespmem:s17], [sflag:$0x2], $0x80, s30, s15, $0xb8;
	[tilespmem:$0x1E000] =	vst v63  }
0x77: {  	_ =	swait.ge [sflag:s20], $0x2000  }
0x78: {  	[sflag:s20] =	ssyncset.done $0x0  }
0x79: {  	s31 =	sadd.s32 $0x1100, s23;
	[sflag:s20] =	ssyncadd.s32 $0xFFFFE000  }
0x7a: {  	[spmem:s1] =	stream.indirect.scatter.add.f32 [tilespmem:s18], [sflag:$0x2], $0x80, s31, s15, $0xb8;
	[tilespmem:$0x1E000] =	vst v63  }
0x7b: {  	_ =	swait.ge [sflag:s20], $0x2000  }
0x7c: {  	[sflag:s20] =	ssyncset.done $0x0  }
0x7d: {  	s23 =	sadd.s32 $0x1180, s23;
	[sflag:s20] =	ssyncadd.s32 $0xFFFFE000  }
0x7e: {  	[spmem:s1] =	stream.indirect.scatter.add.f32 [tilespmem:s19], [sflag:$0x2], $0x80, s23, s15, $0xb8;
	[tilespmem:$0x1E000] =	vst v63  }
0x7f: {  	_ =	swait.ge [sflag:s21], $0x2000  }
0x80: {  	[sflag:s21] =	ssyncset.done $0x0  }
0x81: {  	[sflag:s21] =	ssyncadd.s32 $0xFFFFE000  }
0x82: {  	_ =	swait.ge [sflag:s21], $0x2000  }
0x83: {  	[sflag:s21] =	ssyncset.done $0x0  }
0x84: {  	s22 =	sadd.s32 $0x1, s22;
	[sflag:s21] =	ssyncadd.s32 $0xFFFFE000  }
0x85: {  	p0 =	sne.s32 s22, $0xA;
	_ =	swait.ge [sflag:s21], $0x2000  }
.Ltmp1:
0x86: {  	[sflag:s21] =	ssyncset.done $0x0;
	(pc) =	sbr.rel @p0 .LBB2_2-.Ltmp1, $4  }
0x87: {  	[sflag:s21] =	ssyncadd.s32 $0xFFFFE000  }
0x88: {  	_ =	swait.ge [sflag:s21], $0x2000  }
0x89: {  	[sflag:s21] =	ssyncset.done $0x0  }
0x8a: {  	[sflag:s21] =	ssyncadd.s32 $0xFFFFE000  }
0x8b: {  	s3 =	sadd.s32 $0x1, s3  }
0x8c: {  	p0 =	sne.s32 s3, s11  }
.Ltmp2:
0x8d: {  	[bflag:$0x0] =	sbarrier.arrive $0xFFFF;
	(pc) =	sbr.rel @p0 .LBB2_1-.Ltmp2, $4  }
0x8e: {  	[hbm:s10], [sflag:s8] =	dma.local [spmem:s12], $0x2800  }
0x8f: {  	_ =	swait.ge [sflag:s13], $0x2800  }
0x90: {  	[sflag:s13] =	ssyncset.done $0x0  }
0x91: {  	[sflag:s13] =	ssyncadd.s32 $0xFFFFD800  }
0x92: {  	_ =	sfence.sel $0x180000  }
0x93: {  	[bflag:$0x0] =	sbarrier.arrive $0xFFFF  }
0x94: {  	p0 =	sne.s32 s2, $0x0;
	_ =	strace $0x9000004D  }
0x95: {  	s0 =	sadd.s32 @!p0 $0x100000, s0;
	[bflag:$0x2] =	sbarrier.arrive $0xFFFF  }
0x96: {  	[sflag:s0] =	ssyncadd.tile.s32 @!p0 $0x1;
	_ =	shalt  }
.Lfunc_end2:
_tile_overlayer_lowered:
.L_overlay_start_2:
0x97: {  	(tag) =	ssettag $0x2  }
0x98: {  	s0 =	rddreg [dreg:$0x0];
	s2 =	stileid.u32  }
0x99: {  	s1 =	rddreg [dreg:$0x1];
	p0 =	sne.s32 s2, $0x0  }
0x9a: {  	s3 =	rddreg [dreg:$0x2];
	[bflag:$0x3] =	sbarrier.arrive $0xFFFF;
	s2 =	simm.s32 @!p0 $0x1C03  }
0x9b: {  	[timem:s3], [sflag:s2] =	dma.local @!p0 [hbm:s0], s1  }
0x9c: {  	s0 =	simm.s32 @!p0 $0x3  }
0x9d: {  	_ =	swait.ge @!p0 [sflag:s0], s1  }
0x9e: {  	s1 =	ssub.s32 @!p0 $0x0, s1;
	[sflag:s0] =	ssyncset.done @!p0 $0x0  }
0x9f: {  	[sflag:s0] =	ssyncadd.s32 @!p0 s1  }
0xa0: {  	[bflag:$0x3] =	sbarrier.arrive $0xFFFF  }
0xa1: {  	_ =	shalt  }

</sc_bundles>
